<compile_context>
chip_gen: v7x
topology: tpu7x:2x2x1
jax: 0.10.2.dev20260603
libtpu: 0.0.44.dev20260713+nightly
codegen_flags: <defaults>
</compile_context>

<pallas_src>
import functools

import jax
import jax.numpy as jnp
from jax import lax
from jax.experimental import pallas as pl
from jax.experimental.pallas import tpu as pltpu
from jax.experimental.pallas import tpu_sc as plsc

NUM_BINS = 128
NSLOT = 16
PROWS = NSLOT * NUM_BINS
_NC, _NS = 2, 16
_NW = _NC * _NS

_PI = 3.141592653589793
_HL = [(1.0, -1.0)] * 3 + [(2.0, 0.0)] + [(0.5, -0.5)] * 9 + [(_PI, 0.0)] * 3


def _proj_body(tn_ref, ta_ref, tv_ref, tg_ref, w_ref, p_ref):
    tabs = [tn_ref] * 3 + [ta_ref] + [tv_ref] * 9 + [tg_ref] * 3
    for s in range(NSLOT):
        t = tabs[s][...]
        w = w_ref[pl.ds(s * 128, 128), :]
        p_ref[pl.ds(s * NUM_BINS, NUM_BINS), :] = jnp.dot(
            t, w, preferred_element_type=jnp.float32).astype(jnp.bfloat16)


def _sc_gather_body(vert_hbm, fidx_hbm, out_hbm, vert_v, idx_v, out_v, *,
                    nf, nv):
    n3 = fidx_hbm.shape[0]
    n = n3 // 3
    chunk = n // _NW
    wid = lax.axis_index("s") * _NC + lax.axis_index("c")
    base = wid * chunk
    bofs3 = (base // nf) * nv * 3
    pltpu.sync_copy(vert_hbm.at[pl.ds(bofs3, nv * 3)], vert_v)
    pltpu.sync_copy(fidx_hbm.at[pl.ds(base * 3, chunk * 3)], idx_v)
    iota3 = lax.broadcasted_iota(jnp.int32, (16,), 0) * 3

    def body(j, carry):
        off = pl.multiple_of(j * 16, 16)
        for k in range(3):
            fk = plsc.load_gather(idx_v, [iota3 + (3 * off + k)])
            pos = fk * 3
            for c in range(3):
                out_v[pl.ds((k * 3 + c) * chunk + off, 16)] = plsc.load_gather(
                    vert_v, [pos + c])
        return carry

    lax.fori_loop(0, chunk // 16, body, 0)
    for r in range(9):
        pltpu.sync_copy(out_v.at[pl.ds(r * chunk, chunk)],
                        out_hbm.at[pl.ds(r * n + base, chunk)])


def _quant(feat, high, low):
    f = jnp.clip(feat, low, high)
    q = ((f - low) / (high - low) * NUM_BINS).astype(jnp.int32)
    return jnp.clip(q, 0, NUM_BINS - 1)


def _acos(x):
    r = 2.0 * lax.atan2(jnp.sqrt(1.0 - x * x), 1.0 + x)
    return jnp.where(x == -1.0, jnp.float32(_PI), r)


def _tc_main_body(coords_ref, p_ref, b_ref, o_ref, *, fb):
    eps = 1e-12
    c = [coords_ref[r:r + 1, :] for r in range(9)]

    def vtx(k):
        return c[3 * k], c[3 * k + 1], c[3 * k + 2]

    v0, v1, v2 = vtx(0), vtx(1), vtx(2)
    e1 = [v0[i] - v2[i] for i in range(3)]
    e2 = [v1[i] - v0[i] for i in range(3)]
    cx = e1[1] * e2[2] - e1[2] * e2[1]
    cy = e1[2] * e2[0] - e1[0] * e2[2]
    cz = e1[0] * e2[1] - e1[1] * e2[0]
    nrm = jnp.sqrt((cx * cx + cy * cy) + cz * cz)
    nsafe = jnp.maximum(nrm, eps)
    feats = [cx / nsafe, cy / nsafe, cz / nsafe, nrm * 0.5]
    feats += c
    verts = (v0, v1, v2)
    for k in range(3):
        a = [verts[(k + 1) % 3][i] - verts[k][i] for i in range(3)]
        b = [verts[(k + 2) % 3][i] - verts[k][i] for i in range(3)]
        na = jnp.maximum(jnp.sqrt((a[0] * a[0] + a[1] * a[1]) + a[2] * a[2]), eps)
        nb = jnp.maximum(jnp.sqrt((b[0] * b[0] + b[1] * b[1]) + b[2] * b[2]), eps)
        cos = ((a[0] / na) * (b[0] / nb) + (a[1] / na) * (b[1] / nb)) \
            + (a[2] / na) * (b[2] / nb)
        cos = jnp.clip(cos, -1.0, 1.0)
        feats.append(_acos(cos))

    qrows = [_quant(f, hi, lo) for f, (hi, lo) in zip(feats, _HL)]
    iot = lax.broadcasted_iota(jnp.int32, (NUM_BINS, fb), 0)
    pieces = [(iot == q).astype(jnp.bfloat16) for q in qrows]
    mht = jnp.concatenate(pieces, axis=0)
    x = lax.dot_general(mht, p_ref[...], (((0,), (0,)), ((), ())),
                        preferred_element_type=jnp.float32)
    x = x + b_ref[0:1, :]
    xc = x * jnp.float32(0.7071067690849304)
    o_ref[...] = 0.5 * x * (1.0 + lax.erf(xc))


def kernel(vertices, faces, edges, face_masks, edge_masks,
           emb_norm, emb_area, emb_vertex, emb_angle, W_proj, b_proj):
    B, NV = vertices.shape[0], vertices.shape[1]
    NF = faces.shape[1]
    N = B * NF
    H = W_proj.shape[1]

    fidx_flat = (faces * face_masks[..., None]).reshape(N * 3)
    vert_flat = vertices.reshape(B * NV * 3)
    b_pad = jnp.broadcast_to(b_proj[None, :], (8, H))

    p_tab = pl.pallas_call(
        _proj_body,
        out_shape=jax.ShapeDtypeStruct((PROWS, H), jnp.bfloat16),
    )(emb_norm[1:129], emb_area[1:129], emb_vertex[1:129], emb_angle[1:129],
      W_proj)

    coords_flat = pl.kernel(
        functools.partial(_sc_gather_body, nf=NF, nv=NV),
        out_type=jax.ShapeDtypeStruct((16 * N,), jnp.float32),
        mesh=plsc.VectorSubcoreMesh(core_axis_name="c", subcore_axis_name="s"),
        compiler_params=pltpu.CompilerParams(needs_layout_passes=False),
        scratch_types=[
            pltpu.VMEM((NV * 3,), jnp.float32),
            pltpu.VMEM((3 * (N // _NW),), jnp.int32),
            pltpu.VMEM((9 * (N // _NW),), jnp.float32),
        ],
    )(vert_flat, fidx_flat)
    coords = coords_flat.reshape(16, N)

    FB = 512
    out = pl.pallas_call(
        functools.partial(_tc_main_body, fb=FB),
        grid=(N // FB,),
        in_specs=[pl.BlockSpec((16, FB), lambda i: (0, i)),
                  pl.BlockSpec((PROWS, H), lambda i: (0, 0)),
                  pl.BlockSpec((8, H), lambda i: (0, 0))],
        out_specs=pl.BlockSpec((FB, H), lambda i: (i, 0)),
        out_shape=jax.ShapeDtypeStruct((N, H), jnp.float32),
    )(coords, p_tab, b_pad)
    return out.reshape(B, NF, H)

# --- scband reference (transcript-rebuilt; emitter-appended) ---
"""Pipeline reference for scband-mesh-aeembedding-38585986187772 (READ-ONLY COPY).

The authoritative reference and input builder live on the scoring server;
editing this copy changes nothing except your own understanding.
"""

import jax, jax.numpy as jnp
import numpy as np

NUM_BINS = 128
HL = {'norm': (1.0, -1.0), 'area': (2.0, 0.0), 'vertex': (0.5, -0.5), 'angle': (3.141592653589793, 0.0)}


def quantize(feat, high_low, num_bins):
    high, low = high_low
    feat = jnp.clip(feat, low, high)
    idx = ((feat - low) / (high - low) * num_bins).astype(jnp.int32)
    return jnp.clip(idx, 0, num_bins - 1)


def _normalize(v, eps=1e-12):
    n = jnp.linalg.norm(v, axis=-1, keepdims=True)
    return v / jnp.maximum(n, eps)


def _make_table(key, rows, dim):
    t = jax.random.normal(key, (rows, dim), dtype=jnp.float32) * 0.02
    return t.at[0].set(0.0)  # padding_idx = 0


def setup_inputs(seed: int = 0) -> dict:
    key = jax.random.key(seed)
    ks = jax.random.split(key, 10)
    B, NV, NF, NE = 8, 2048, 4096, 8192
    D, H = 128, 512
    input_size = D * (3 + 1 + 9 + 3)  # norm, area, vertex, angle
    vertices = jax.random.normal(ks[0], (B, NV, 3), dtype=jnp.float32)
    faces = jax.random.randint(ks[1], (B, NF, 3), 0, NV, dtype=jnp.int32)
    edges = jax.random.randint(ks[2], (B, NE, 2), 0, NF, dtype=jnp.int32)
    face_masks = jnp.ones((B, NF), dtype=bool)
    edge_masks = jnp.ones((B, NE), dtype=bool)
    emb_norm = _make_table(ks[3], NUM_BINS + 1, D)
    emb_area = _make_table(ks[4], NUM_BINS + 1, D)
    emb_vertex = _make_table(ks[5], NUM_BINS + 1, D)
    emb_angle = _make_table(ks[6], NUM_BINS + 1, D)
    W_proj = jax.random.normal(ks[7], (input_size, H), dtype=jnp.float32) * 0.02
    b_proj = jnp.zeros((H,), dtype=jnp.float32)
    return {'vertices': vertices, 'faces': faces, 'edges': edges,
            'face_masks': face_masks, 'edge_masks': edge_masks,
            'emb_norm': emb_norm, 'emb_area': emb_area,
            'emb_vertex': emb_vertex, 'emb_angle': emb_angle,
            'W_proj': W_proj, 'b_proj': b_proj}


def _extract_indices(coords):
    # coords: [B, NF, 3, 3]
    B, NF = coords.shape[0], coords.shape[1]
    shifts = jnp.roll(coords, 1, axis=2)
    diff = coords - shifts
    e1 = diff[:, :, 0]
    e2 = diff[:, :, 1]
    cross = jnp.cross(e1, e2)
    norm_feat = _normalize(cross)
    area_feat = jnp.linalg.norm(cross, axis=-1, keepdims=True) * 0.5
    vertex_feat = coords.reshape(B, NF, 9)
    v1 = _normalize(jnp.roll(coords, -1, axis=2) - coords)
    v2 = _normalize(jnp.roll(coords, -2, axis=2) - coords)
    cosang = jnp.clip(jnp.sum(v1 * v2, axis=-1), -1.0, 1.0)
    angle_feat = jnp.arccos(cosang)
    feats = {'norm': norm_feat, 'area': area_feat, 'vertex': vertex_feat, 'angle': angle_feat}
    out = {}
    for name, feat in feats.items():
        feat = jax.lax.stop_gradient(feat)
        out[name] = quantize(feat, HL[name], NUM_BINS) + 1  # shift for padding idx
    return out


def reference(vertices, faces, edges, face_masks, edge_masks,
              emb_norm, emb_area, emb_vertex, emb_angle, W_proj, b_proj):
    B, NF = faces.shape[0], faces.shape[1]
    faces_m = jnp.where(face_masks[..., None], faces, 0)
    coords = vertices[jnp.arange(B)[:, None, None], faces_m]  # [B, NF, 3, 3]
    idx = _extract_indices(coords)
    tables = {'norm': emb_norm, 'area': emb_area, 'vertex': emb_vertex, 'angle': emb_angle}
    embeds = jnp.concatenate([
        jnp.take(tables[name], idx[name], axis=0).reshape(B, NF, -1)
        for name in ['norm', 'area', 'vertex', 'angle']
    ], axis=-1)
    x = embeds @ W_proj + b_proj
    out = jax.nn.gelu(x, approximate=False)
    # num_sageconv_layers == 0, so no graph conv branch
    return out

if __name__ == "__main__":
    import jax
    _d = setup_inputs()
    print(jax.jit(kernel)(*tuple(_d.values())))

</pallas_src>

<mosaic_0001>
#map = affine_map<(d0, d1) -> (0)>
module attributes {stable_mosaic.version = 14 : i64} {
  func.func @_sc_gather_body(%arg0: i32, %arg1: i32, %arg2: memref<49152xf32, #tpu.memory_space<hbm>>, %arg3: memref<98304xi32, #tpu.memory_space<hbm>>, %arg4: memref<524288xf32, #tpu.memory_space<hbm>>, %arg5: memref<6144xf32, #tpu.memory_space<vmem>>, %arg6: memref<3072xi32, #tpu.memory_space<vmem>>, %arg7: memref<9216xf32, #tpu.memory_space<vmem>>) attributes {dimension_semantics = [#tpu.dimension_semantics<core_parallel>, #tpu.dimension_semantics<subcore_parallel>], iteration_bounds = array<i64: 2, 16>, scalar_prefetch = 0 : i64, scratch_operands = 3 : i64, tpu.core_type = #tpu.core_type<sc_vector_subcore>, window_params = [{transform_indices = #map}, {transform_indices = #map}, {transform_indices = #map}]} {
    %mul3A = arith.constant 2 : i32
    %mul3A_0 = arith.muli %arg1, %mul3A : i32
    %add3A = arith.addi %mul3A_0, %arg0 : i32
    %mul3A_1 = arith.constant 1024 : i32
    %mul3A_2 = arith.muli %add3A, %mul3A_1 : i32
    %jit3A = arith.constant 4096 : i32
    %div3A = arith.divsi %mul3A_2, %jit3A : i32
    %sign3A = arith.constant 0 : i32
    %sign3A_3 = arith.cmpi sgt, %mul3A_2, %sign3A : i32
    %sign3A_4 = arith.extui %sign3A_3 : i1 to i32
    %sign3A_5 = arith.constant 0 : i32
    %sign3A_6 = arith.cmpi slt, %mul3A_2, %sign3A_5 : i32
    %sign3A_7 = arith.extui %sign3A_6 : i1 to i32
    %sign3A_8 = arith.subi %sign3A_4, %sign3A_7 : i32
    %sign3A_9 = arith.constant 0 : i32
    %sign3A_10 = arith.cmpi sgt, %jit3A, %sign3A_9 : i32
    %sign3A_11 = arith.extui %sign3A_10 : i1 to i32
    %sign3A_12 = arith.constant 0 : i32
    %sign3A_13 = arith.cmpi slt, %jit3A, %sign3A_12 : i32
    %sign3A_14 = arith.extui %sign3A_13 : i1 to i32
    %sign3A_15 = arith.subi %sign3A_11, %sign3A_14 : i32
    %ne3A = arith.cmpi ne, %sign3A_8, %sign3A_15 : i32
    %rem3A = arith.remsi %mul3A_2, %jit3A : i32
    %ne3A_16 = arith.constant 0 : i32
    %ne3A_17 = arith.cmpi ne, %rem3A, %ne3A_16 : i32
    %and3A = arith.andi %ne3A, %ne3A_17 : i1
    %sub3A = arith.constant 1 : i32
    %sub3A_18 = arith.subi %div3A, %sub3A : i32
    %select_n3A = arith.select %and3A, %sub3A_18, %div3A : i32
    %mul3A_19 = arith.constant 2048 : i32
    %mul3A_20 = arith.muli %select_n3A, %mul3A_19 : i32
    %mul3A_21 = arith.constant 3 : i32
    %mul3A_22 = arith.muli %mul3A_20, %mul3A_21 : i32
    "tpu.region"() ({
      %run_scoped3A = tpu.sem_alloc : memref<!tpu.dma_semaphore, #tpu.memory_space<semaphore_mem>>
      %dma_start3A = tpu.memref_slice %arg2[%mul3A_22] : memref<49152xf32, #tpu.memory_space<hbm>> -> memref<6144xf32, #tpu.memory_space<hbm>>
      %dma_start3A_51 = tpu.memref_slice %arg2[%mul3A_22] : memref<49152xf32, #tpu.memory_space<hbm>> -> memref<6144xf32, #tpu.memory_space<hbm>>
      tpu.enqueue_dma source(%dma_start3A_51 : memref<6144xf32, #tpu.memory_space<hbm>>) target(%arg5 : memref<6144xf32, #tpu.memory_space<vmem>>) target_semaphore(%run_scoped3A : memref<!tpu.dma_semaphore, #tpu.memory_space<semaphore_mem>>)
      %dma_wait3A = tpu.memref_slice %arg2[%mul3A_22] : memref<49152xf32, #tpu.memory_space<hbm>> -> memref<6144xf32, #tpu.memory_space<hbm>>
      %dma_wait3A_52 = tpu.memref_slice %arg2[%mul3A_22] : memref<49152xf32, #tpu.memory_space<hbm>> -> memref<6144xf32, #tpu.memory_space<hbm>>
      tpu.wait_dma2 semaphore(%run_scoped3A : memref<!tpu.dma_semaphore, #tpu.memory_space<semaphore_mem>>) src(%dma_wait3A_52 : memref<6144xf32, #tpu.memory_space<hbm>>) dst(%arg5 : memref<6144xf32, #tpu.memory_space<vmem>>)
      tpu.yield
    }) : () -> ()
    %mul3A_23 = arith.constant 3 : i32
    %mul3A_24 = arith.muli %mul3A_2, %mul3A_23 : i32
    "tpu.region"() ({
      %run_scoped3A = tpu.sem_alloc : memref<!tpu.dma_semaphore, #tpu.memory_space<semaphore_mem>>
      %dma_start3A = tpu.memref_slice %arg3[%mul3A_24] : memref<98304xi32, #tpu.memory_space<hbm>> -> memref<3072xi32, #tpu.memory_space<hbm>>
      %dma_start3A_51 = tpu.memref_slice %arg3[%mul3A_24] : memref<98304xi32, #tpu.memory_space<hbm>> -> memref<3072xi32, #tpu.memory_space<hbm>>
      tpu.enqueue_dma source(%dma_start3A_51 : memref<3072xi32, #tpu.memory_space<hbm>>) target(%arg6 : memref<3072xi32, #tpu.memory_space<vmem>>) target_semaphore(%run_scoped3A : memref<!tpu.dma_semaphore, #tpu.memory_space<semaphore_mem>>)
      %dma_wait3A = tpu.memref_slice %arg3[%mul3A_24] : memref<98304xi32, #tpu.memory_space<hbm>> -> memref<3072xi32, #tpu.memory_space<hbm>>
      %dma_wait3A_52 = tpu.memref_slice %arg3[%mul3A_24] : memref<98304xi32, #tpu.memory_space<hbm>> -> memref<3072xi32, #tpu.memory_space<hbm>>
      tpu.wait_dma2 semaphore(%run_scoped3A : memref<!tpu.dma_semaphore, #tpu.memory_space<semaphore_mem>>) src(%dma_wait3A_52 : memref<3072xi32, #tpu.memory_space<hbm>>) dst(%arg6 : memref<3072xi32, #tpu.memory_space<vmem>>)
      tpu.yield
    }) : () -> ()
    %iota3A = tpu.iota {dimensions = array<i32: 0>} : vector<16xi32>
    %mul3A_25 = arith.constant 3 : i32
    %mul3A_26 = vector.broadcast %mul3A_25 : i32 to vector<16xi32>
    %mul3A_27 = arith.muli %iota3A, %mul3A_26 : vector<16xi32>
    %scan3A = arith.constant 0 : i32
    %scan3A_28 = arith.constant 0 : i32
    %scan3A_29 = arith.constant 64 : i32
    %scan3A_30 = arith.addi %scan3A_28, %scan3A_29 : i32
    %scan3A_31 = arith.constant 1 : i32
    scf.for %scan3A_51 = %scan3A_28 to %scan3A_30 step %scan3A_31  : i32 {
      %mul3A_52 = arith.constant 16 : i32
      %mul3A_53 = arith.muli %scan3A_51, %mul3A_52 : i32
      %multiple_of3A = tpu.assume_multiple %mul3A_53, 16 : i32
      %mul3A_54 = arith.constant 3 : i32
      %mul3A_55 = arith.muli %mul3A_54, %multiple_of3A : i32
      %add3A_56 = arith.constant 0 : i32
      %add3A_57 = arith.addi %mul3A_55, %add3A_56 : i32
      %add3A_58 = vector.broadcast %add3A_57 : i32 to vector<16xi32>
      %add3A_59 = arith.addi %mul3A_27, %add3A_58 : vector<16xi32>
      %gather3A = tpu.vector_load_idx %arg6[%add3A_59] : memref<3072xi32, #tpu.memory_space<vmem>>[vector<16xi32>], vector<16xi32>,
      %mul3A_60 = arith.constant 3 : i32
      %mul3A_61 = vector.broadcast %mul3A_60 : i32 to vector<16xi32>
      %mul3A_62 = arith.muli %gather3A, %mul3A_61 : vector<16xi32>
      %add3A_63 = arith.constant 0 : i32
      %add3A_64 = vector.broadcast %add3A_63 : i32 to vector<16xi32>
      %add3A_65 = arith.addi %mul3A_62, %add3A_64 : vector<16xi32>
      %gather3A_66 = tpu.vector_load_idx %arg5[%add3A_65] : memref<6144xf32, #tpu.memory_space<vmem>>[vector<16xi32>], vector<16xf32>,
      %add3A_67 = arith.constant 0 : i32
      %add3A_68 = arith.addi %add3A_67, %multiple_of3A : i32
      %swap3A = arith.index_cast %add3A_68 : i32 to index
      %swap3A_69 = tpu.vector_load %arg7[%swap3A] {strides = array<i32>} : memref<9216xf32, #tpu.memory_space<vmem>>, vector<16xf32>,
      tpu.vector_store %arg7[%swap3A], %gather3A_66 {strides = array<i32>} : memref<9216xf32, #tpu.memory_space<vmem>>, vector<16xf32>,
      %add3A_70 = arith.constant 1 : i32
      %add3A_71 = vector.broadcast %add3A_70 : i32 to vector<16xi32>
      %add3A_72 = arith.addi %mul3A_62, %add3A_71 : vector<16xi32>
      %gather3A_73 = tpu.vector_load_idx %arg5[%add3A_72] : memref<6144xf32, #tpu.memory_space<vmem>>[vector<16xi32>], vector<16xf32>,
      %add3A_74 = arith.constant 1024 : i32
      %add3A_75 = arith.addi %add3A_74, %multiple_of3A : i32
      %swap3A_76 = arith.index_cast %add3A_75 : i32 to index
      %swap3A_77 = tpu.vector_load %arg7[%swap3A_76] {strides = array<i32>} : memref<9216xf32, #tpu.memory_space<vmem>>, vector<16xf32>,
      tpu.vector_store %arg7[%swap3A_76], %gather3A_73 {strides = array<i32>} : memref<9216xf32, #tpu.memory_space<vmem>>, vector<16xf32>,
      %add3A_78 = arith.constant 2 : i32
      %add3A_79 = vector.broadcast %add3A_78 : i32 to vector<16xi32>
      %add3A_80 = arith.addi %mul3A_62, %add3A_79 : vector<16xi32>
      %gather3A_81 = tpu.vector_load_idx %arg5[%add3A_80] : memref<6144xf32, #tpu.memory_space<vmem>>[vector<16xi32>], vector<16xf32>,
      %add3A_82 = arith.constant 2048 : i32
      %add3A_83 = arith.addi %add3A_82, %multiple_of3A : i32
      %swap3A_84 = arith.index_cast %add3A_83 : i32 to index
      %swap3A_85 = tpu.vector_load %arg7[%swap3A_84] {strides = array<i32>} : memref<9216xf32, #tpu.memory_space<vmem>>, vector<16xf32>,
      tpu.vector_store %arg7[%swap3A_84], %gather3A_81 {strides = array<i32>} : memref<9216xf32, #tpu.memory_space<vmem>>, vector<16xf32>,
      %mul3A_86 = arith.constant 3 : i32
      %mul3A_87 = arith.muli %mul3A_86, %multiple_of3A : i32
      %add3A_88 = arith.constant 1 : i32
      %add3A_89 = arith.addi %mul3A_87, %add3A_88 : i32
      %add3A_90 = vector.broadcast %add3A_89 : i32 to vector<16xi32>
      %add3A_91 = arith.addi %mul3A_27, %add3A_90 : vector<16xi32>
      %gather3A_92 = tpu.vector_load_idx %arg6[%add3A_91] : memref<3072xi32, #tpu.memory_space<vmem>>[vector<16xi32>], vector<16xi32>,
      %mul3A_93 = arith.constant 3 : i32
      %mul3A_94 = vector.broadcast %mul3A_93 : i32 to vector<16xi32>
      %mul3A_95 = arith.muli %gather3A_92, %mul3A_94 : vector<16xi32>
      %add3A_96 = arith.constant 0 : i32
      %add3A_97 = vector.broadcast %add3A_96 : i32 to vector<16xi32>
      %add3A_98 = arith.addi %mul3A_95, %add3A_97 : vector<16xi32>
      %gather3A_99 = tpu.vector_load_idx %arg5[%add3A_98] : memref<6144xf32, #tpu.memory_space<vmem>>[vector<16xi32>], vector<16xf32>,
      %add3A_100 = arith.constant 3072 : i32
      %add3A_101 = arith.addi %add3A_100, %multiple_of3A : i32
      %swap3A_102 = arith.index_cast %add3A_101 : i32 to index
      %swap3A_103 = tpu.vector_load %arg7[%swap3A_102] {strides = array<i32>} : memref<9216xf32, #tpu.memory_space<vmem>>, vector<16xf32>,
      tpu.vector_store %arg7[%swap3A_102], %gather3A_99 {strides = array<i32>} : memref<9216xf32, #tpu.memory_space<vmem>>, vector<16xf32>,
      %add3A_104 = arith.constant 1 : i32
      %add3A_105 = vector.broadcast %add3A_104 : i32 to vector<16xi32>
      %add3A_106 = arith.addi %mul3A_95, %add3A_105 : vector<16xi32>
      %gather3A_107 = tpu.vector_load_idx %arg5[%add3A_106] : memref<6144xf32, #tpu.memory_space<vmem>>[vector<16xi32>], vector<16xf32>,
      %add3A_108 = arith.constant 4096 : i32
      %add3A_109 = arith.addi %add3A_108, %multiple_of3A : i32
      %swap3A_110 = arith.index_cast %add3A_109 : i32 to index
      %swap3A_111 = tpu.vector_load %arg7[%swap3A_110] {strides = array<i32>} : memref<9216xf32, #tpu.memory_space<vmem>>, vector<16xf32>,
      tpu.vector_store %arg7[%swap3A_110], %gather3A_107 {strides = array<i32>} : memref<9216xf32, #tpu.memory_space<vmem>>, vector<16xf32>,
      %add3A_112 = arith.constant 2 : i32
      %add3A_113 = vector.broadcast %add3A_112 : i32 to vector<16xi32>
      %add3A_114 = arith.addi %mul3A_95, %add3A_113 : vector<16xi32>
      %gather3A_115 = tpu.vector_load_idx %arg5[%add3A_114] : memref<6144xf32, #tpu.memory_space<vmem>>[vector<16xi32>], vector<16xf32>,
      %add3A_116 = arith.constant 5120 : i32
      %add3A_117 = arith.addi %add3A_116, %multiple_of3A : i32
      %swap3A_118 = arith.index_cast %add3A_117 : i32 to index
      %swap3A_119 = tpu.vector_load %arg7[%swap3A_118] {strides = array<i32>} : memref<9216xf32, #tpu.memory_space<vmem>>, vector<16xf32>,
      tpu.vector_store %arg7[%swap3A_118], %gather3A_115 {strides = array<i32>} : memref<9216xf32, #tpu.memory_space<vmem>>, vector<16xf32>,
      %mul3A_120 = arith.constant 3 : i32
      %mul3A_121 = arith.muli %mul3A_120, %multiple_of3A : i32
      %add3A_122 = arith.constant 2 : i32
      %add3A_123 = arith.addi %mul3A_121, %add3A_122 : i32
      %add3A_124 = vector.broadcast %add3A_123 : i32 to vector<16xi32>
      %add3A_125 = arith.addi %mul3A_27, %add3A_124 : vector<16xi32>
      %gather3A_126 = tpu.vector_load_idx %arg6[%add3A_125] : memref<3072xi32, #tpu.memory_space<vmem>>[vector<16xi32>], vector<16xi32>,
      %mul3A_127 = arith.constant 3 : i32
      %mul3A_128 = vector.broadcast %mul3A_127 : i32 to vector<16xi32>
      %mul3A_129 = arith.muli %gather3A_126, %mul3A_128 : vector<16xi32>
      %add3A_130 = arith.constant 0 : i32
      %add3A_131 = vector.broadcast %add3A_130 : i32 to vector<16xi32>
      %add3A_132 = arith.addi %mul3A_129, %add3A_131 : vector<16xi32>
      %gather3A_133 = tpu.vector_load_idx %arg5[%add3A_132] : memref<6144xf32, #tpu.memory_space<vmem>>[vector<16xi32>], vector<16xf32>,
      %add3A_134 = arith.constant 6144 : i32
      %add3A_135 = arith.addi %add3A_134, %multiple_of3A : i32
      %swap3A_136 = arith.index_cast %add3A_135 : i32 to index
      %swap3A_137 = tpu.vector_load %arg7[%swap3A_136] {strides = array<i32>} : memref<9216xf32, #tpu.memory_space<vmem>>, vector<16xf32>,
      tpu.vector_store %arg7[%swap3A_136], %gather3A_133 {strides = array<i32>} : memref<9216xf32, #tpu.memory_space<vmem>>, vector<16xf32>,
      %add3A_138 = arith.constant 1 : i32
      %add3A_139 = vector.broadcast %add3A_138 : i32 to vector<16xi32>
      %add3A_140 = arith.addi %mul3A_129, %add3A_139 : vector<16xi32>
      %gather3A_141 = tpu.vector_load_idx %arg5[%add3A_140] : memref<6144xf32, #tpu.memory_space<vmem>>[vector<16xi32>], vector<16xf32>,
      %add3A_142 = arith.constant 7168 : i32
      %add3A_143 = arith.addi %add3A_142, %multiple_of3A : i32
      %swap3A_144 = arith.index_cast %add3A_143 : i32 to index
      %swap3A_145 = tpu.vector_load %arg7[%swap3A_144] {strides = array<i32>} : memref<9216xf32, #tpu.memory_space<vmem>>, vector<16xf32>,
      tpu.vector_store %arg7[%swap3A_144], %gather3A_141 {strides = array<i32>} : memref<9216xf32, #tpu.memory_space<vmem>>, vector<16xf32>,
      %add3A_146 = arith.constant 2 : i32
      %add3A_147 = vector.broadcast %add3A_146 : i32 to vector<16xi32>
      %add3A_148 = arith.addi %mul3A_129, %add3A_147 : vector<16xi32>
      %gather3A_149 = tpu.vector_load_idx %arg5[%add3A_148] : memref<6144xf32, #tpu.memory_space<vmem>>[vector<16xi32>], vector<16xf32>,
      %add3A_150 = arith.constant 8192 : i32
      %add3A_151 = arith.addi %add3A_150, %multiple_of3A : i32
      %swap3A_152 = arith.index_cast %add3A_151 : i32 to index
      %swap3A_153 = tpu.vector_load %arg7[%swap3A_152] {strides = array<i32>} : memref<9216xf32, #tpu.memory_space<vmem>>, vector<16xf32>,
      tpu.vector_store %arg7[%swap3A_152], %gather3A_149 {strides = array<i32>} : memref<9216xf32, #tpu.memory_space<vmem>>, vector<16xf32>,
    }
    %scan3A_32 = arith.constant 64 : i32
    %add3A_33 = arith.constant 0 : i32
    %add3A_34 = arith.addi %add3A_33, %mul3A_2 : i32
    "tpu.region"() ({
      %run_scoped3A = tpu.sem_alloc : memref<!tpu.dma_semaphore, #tpu.memory_space<semaphore_mem>>
      %dma_start3A = arith.constant 0 : i32
      %dma_start3A_51 = tpu.memref_slice %arg7[%dma_start3A] : memref<9216xf32, #tpu.memory_space<vmem>> -> memref<1024xf32, #tpu.memory_space<vmem>>
      %dma_start3A_52 = tpu.memref_slice %arg4[%add3A_34] : memref<524288xf32, #tpu.memory_space<hbm>> -> memref<1024xf32, #tpu.memory_space<hbm>>
      %dma_start3A_53 = tpu.memref_slice %arg4[%add3A_34] : memref<524288xf32, #tpu.memory_space<hbm>> -> memref<1024xf32, #tpu.memory_space<hbm>>
      %dma_start3A_54 = arith.constant 0 : i32
      %dma_start3A_55 = tpu.memref_slice %arg7[%dma_start3A_54] : memref<9216xf32, #tpu.memory_space<vmem>> -> memref<1024xf32, #tpu.memory_space<vmem>>
      tpu.enqueue_dma source(%dma_start3A_55 : memref<1024xf32, #tpu.memory_space<vmem>>) target(%dma_start3A_53 : memref<1024xf32, #tpu.memory_space<hbm>>) target_semaphore(%run_scoped3A : memref<!tpu.dma_semaphore, #tpu.memory_space<semaphore_mem>>)
      %dma_wait3A = arith.constant 0 : i32
      %dma_wait3A_56 = tpu.memref_slice %arg7[%dma_wait3A] : memref<9216xf32, #tpu.memory_space<vmem>> -> memref<1024xf32, #tpu.memory_space<vmem>>
      %dma_wait3A_57 = tpu.memref_slice %arg4[%add3A_34] : memref<524288xf32, #tpu.memory_space<hbm>> -> memref<1024xf32, #tpu.memory_space<hbm>>
      %dma_wait3A_58 = tpu.memref_slice %arg4[%add3A_34] : memref<524288xf32, #tpu.memory_space<hbm>> -> memref<1024xf32, #tpu.memory_space<hbm>>
      %dma_wait3A_59 = arith.constant 0 : i32
      %dma_wait3A_60 = tpu.memref_slice %arg7[%dma_wait3A_59] : memref<9216xf32, #tpu.memory_space<vmem>> -> memref<1024xf32, #tpu.memory_space<vmem>>
      tpu.wait_dma2 semaphore(%run_scoped3A : memref<!tpu.dma_semaphore, #tpu.memory_space<semaphore_mem>>) src(%dma_wait3A_60 : memref<1024xf32, #tpu.memory_space<vmem>>) dst(%dma_wait3A_58 : memref<1024xf32, #tpu.memory_space<hbm>>)
      tpu.yield
    }) : () -> ()
    %add3A_35 = arith.constant 32768 : i32
    %add3A_36 = arith.addi %add3A_35, %mul3A_2 : i32
    "tpu.region"() ({
      %run_scoped3A = tpu.sem_alloc : memref<!tpu.dma_semaphore, #tpu.memory_space<semaphore_mem>>
      %dma_start3A = arith.constant 1024 : i32
      %dma_start3A_51 = tpu.memref_slice %arg7[%dma_start3A] : memref<9216xf32, #tpu.memory_space<vmem>> -> memref<1024xf32, #tpu.memory_space<vmem>>
      %dma_start3A_52 = tpu.memref_slice %arg4[%add3A_36] : memref<524288xf32, #tpu.memory_space<hbm>> -> memref<1024xf32, #tpu.memory_space<hbm>>
      %dma_start3A_53 = tpu.memref_slice %arg4[%add3A_36] : memref<524288xf32, #tpu.memory_space<hbm>> -> memref<1024xf32, #tpu.memory_space<hbm>>
      %dma_start3A_54 = arith.constant 1024 : i32
      %dma_start3A_55 = tpu.memref_slice %arg7[%dma_start3A_54] : memref<9216xf32, #tpu.memory_space<vmem>> -> memref<1024xf32, #tpu.memory_space<vmem>>
      tpu.enqueue_dma source(%dma_start3A_55 : memref<1024xf32, #tpu.memory_space<vmem>>) target(%dma_start3A_53 : memref<1024xf32, #tpu.memory_space<hbm>>) target_semaphore(%run_scoped3A : memref<!tpu.dma_semaphore, #tpu.memory_space<semaphore_mem>>)
      %dma_wait3A = arith.constant 1024 : i32
      %dma_wait3A_56 = tpu.memref_slice %arg7[%dma_wait3A] : memref<9216xf32, #tpu.memory_space<vmem>> -> memref<1024xf32, #tpu.memory_space<vmem>>
      %dma_wait3A_57 = tpu.memref_slice %arg4[%add3A_36] : memref<524288xf32, #tpu.memory_space<hbm>> -> memref<1024xf32, #tpu.memory_space<hbm>>
      %dma_wait3A_58 = tpu.memref_slice %arg4[%add3A_36] : memref<524288xf32, #tpu.memory_space<hbm>> -> memref<1024xf32, #tpu.memory_space<hbm>>
      %dma_wait3A_59 = arith.constant 1024 : i32
      %dma_wait3A_60 = tpu.memref_slice %arg7[%dma_wait3A_59] : memref<9216xf32, #tpu.memory_space<vmem>> -> memref<1024xf32, #tpu.memory_space<vmem>>
      tpu.wait_dma2 semaphore(%run_scoped3A : memref<!tpu.dma_semaphore, #tpu.memory_space<semaphore_mem>>) src(%dma_wait3A_60 : memref<1024xf32, #tpu.memory_space<vmem>>) dst(%dma_wait3A_58 : memref<1024xf32, #tpu.memory_space<hbm>>)
      tpu.yield
    }) : () -> ()
    %add3A_37 = arith.constant 65536 : i32
    %add3A_38 = arith.addi %add3A_37, %mul3A_2 : i32
    "tpu.region"() ({
      %run_scoped3A = tpu.sem_alloc : memref<!tpu.dma_semaphore, #tpu.memory_space<semaphore_mem>>
      %dma_start3A = arith.constant 2048 : i32
      %dma_start3A_51 = tpu.memref_slice %arg7[%dma_start3A] : memref<9216xf32, #tpu.memory_space<vmem>> -> memref<1024xf32, #tpu.memory_space<vmem>>
      %dma_start3A_52 = tpu.memref_slice %arg4[%add3A_38] : memref<524288xf32, #tpu.memory_space<hbm>> -> memref<1024xf32, #tpu.memory_space<hbm>>
      %dma_start3A_53 = tpu.memref_slice %arg4[%add3A_38] : memref<524288xf32, #tpu.memory_space<hbm>> -> memref<1024xf32, #tpu.memory_space<hbm>>
      %dma_start3A_54 = arith.constant 2048 : i32
      %dma_start3A_55 = tpu.memref_slice %arg7[%dma_start3A_54] : memref<9216xf32, #tpu.memory_space<vmem>> -> memref<1024xf32, #tpu.memory_space<vmem>>
      tpu.enqueue_dma source(%dma_start3A_55 : memref<1024xf32, #tpu.memory_space<vmem>>) target(%dma_start3A_53 : memref<1024xf32, #tpu.memory_space<hbm>>) target_semaphore(%run_scoped3A : memref<!tpu.dma_semaphore, #tpu.memory_space<semaphore_mem>>)
      %dma_wait3A = arith.constant 2048 : i32
      %dma_wait3A_56 = tpu.memref_slice %arg7[%dma_wait3A] : memref<9216xf32, #tpu.memory_space<vmem>> -> memref<1024xf32, #tpu.memory_space<vmem>>
      %dma_wait3A_57 = tpu.memref_slice %arg4[%add3A_38] : memref<524288xf32, #tpu.memory_space<hbm>> -> memref<1024xf32, #tpu.memory_space<hbm>>
      %dma_wait3A_58 = tpu.memref_slice %arg4[%add3A_38] : memref<524288xf32, #tpu.memory_space<hbm>> -> memref<1024xf32, #tpu.memory_space<hbm>>
      %dma_wait3A_59 = arith.constant 2048 : i32
      %dma_wait3A_60 = tpu.memref_slice %arg7[%dma_wait3A_59] : memref<9216xf32, #tpu.memory_space<vmem>> -> memref<1024xf32, #tpu.memory_space<vmem>>
      tpu.wait_dma2 semaphore(%run_scoped3A : memref<!tpu.dma_semaphore, #tpu.memory_space<semaphore_mem>>) src(%dma_wait3A_60 : memref<1024xf32, #tpu.memory_space<vmem>>) dst(%dma_wait3A_58 : memref<1024xf32, #tpu.memory_space<hbm>>)
      tpu.yield
    }) : () -> ()
    %add3A_39 = arith.constant 98304 : i32
    %add3A_40 = arith.addi %add3A_39, %mul3A_2 : i32
    "tpu.region"() ({
      %run_scoped3A = tpu.sem_alloc : memref<!tpu.dma_semaphore, #tpu.memory_space<semaphore_mem>>
      %dma_start3A = arith.constant 3072 : i32
      %dma_start3A_51 = tpu.memref_slice %arg7[%dma_start3A] : memref<9216xf32, #tpu.memory_space<vmem>> -> memref<1024xf32, #tpu.memory_space<vmem>>
      %dma_start3A_52 = tpu.memref_slice %arg4[%add3A_40] : memref<524288xf32, #tpu.memory_space<hbm>> -> memref<1024xf32, #tpu.memory_space<hbm>>
      %dma_start3A_53 = tpu.memref_slice %arg4[%add3A_40] : memref<524288xf32, #tpu.memory_space<hbm>> -> memref<1024xf32, #tpu.memory_space<hbm>>
      %dma_start3A_54 = arith.constant 3072 : i32
      %dma_start3A_55 = tpu.memref_slice %arg7[%dma_start3A_54] : memref<9216xf32, #tpu.memory_space<vmem>> -> memref<1024xf32, #tpu.memory_space<vmem>>
      tpu.enqueue_dma source(%dma_start3A_55 : memref<1024xf32, #tpu.memory_space<vmem>>) target(%dma_start3A_53 : memref<1024xf32, #tpu.memory_space<hbm>>) target_semaphore(%run_scoped3A : memref<!tpu.dma_semaphore, #tpu.memory_space<semaphore_mem>>)
      %dma_wait3A = arith.constant 3072 : i32
      %dma_wait3A_56 = tpu.memref_slice %arg7[%dma_wait3A] : memref<9216xf32, #tpu.memory_space<vmem>> -> memref<1024xf32, #tpu.memory_space<vmem>>
      %dma_wait3A_57 = tpu.memref_slice %arg4[%add3A_40] : memref<524288xf32, #tpu.memory_space<hbm>> -> memref<1024xf32, #tpu.memory_space<hbm>>
      %dma_wait3A_58 = tpu.memref_slice %arg4[%add3A_40] : memref<524288xf32, #tpu.memory_space<hbm>> -> memref<1024xf32, #tpu.memory_space<hbm>>
      %dma_wait3A_59 = arith.constant 3072 : i32
      %dma_wait3A_60 = tpu.memref_slice %arg7[%dma_wait3A_59] : memref<9216xf32, #tpu.memory_space<vmem>> -> memref<1024xf32, #tpu.memory_space<vmem>>
      tpu.wait_dma2 semaphore(%run_scoped3A : memref<!tpu.dma_semaphore, #tpu.memory_space<semaphore_mem>>) src(%dma_wait3A_60 : memref<1024xf32, #tpu.memory_space<vmem>>) dst(%dma_wait3A_58 : memref<1024xf32, #tpu.memory_space<hbm>>)
      tpu.yield
    }) : () -> ()
    %add3A_41 = arith.constant 131072 : i32
    %add3A_42 = arith.addi %add3A_41, %mul3A_2 : i32
    "tpu.region"() ({
      %run_scoped3A = tpu.sem_alloc : memref<!tpu.dma_semaphore, #tpu.memory_space<semaphore_mem>>
      %dma_start3A = arith.constant 4096 : i32
      %dma_start3A_51 = tpu.memref_slice %arg7[%dma_start3A] : memref<9216xf32, #tpu.memory_space<vmem>> -> memref<1024xf32, #tpu.memory_space<vmem>>
      %dma_start3A_52 = tpu.memref_slice %arg4[%add3A_42] : memref<524288xf32, #tpu.memory_space<hbm>> -> memref<1024xf32, #tpu.memory_space<hbm>>
      %dma_start3A_53 = tpu.memref_slice %arg4[%add3A_42] : memref<524288xf32, #tpu.memory_space<hbm>> -> memref<1024xf32, #tpu.memory_space<hbm>>
      %dma_start3A_54 = arith.constant 4096 : i32
      %dma_start3A_55 = tpu.memref_slice %arg7[%dma_start3A_54] : memref<9216xf32, #tpu.memory_space<vmem>> -> memref<1024xf32, #tpu.memory_space<vmem>>
      tpu.enqueue_dma source(%dma_start3A_55 : memref<1024xf32, #tpu.memory_space<vmem>>) target(%dma_start3A_53 : memref<1024xf32, #tpu.memory_space<hbm>>) target_semaphore(%run_scoped3A : memref<!tpu.dma_semaphore, #tpu.memory_space<semaphore_mem>>)
      %dma_wait3A = arith.constant 4096 : i32
      %dma_wait3A_56 = tpu.memref_slice %arg7[%dma_wait3A] : memref<9216xf32, #tpu.memory_space<vmem>> -> memref<1024xf32, #tpu.memory_space<vmem>>
      %dma_wait3A_57 = tpu.memref_slice %arg4[%add3A_42] : memref<524288xf32, #tpu.memory_space<hbm>> -> memref<1024xf32, #tpu.memory_space<hbm>>
      %dma_wait3A_58 = tpu.memref_slice %arg4[%add3A_42] : memref<524288xf32, #tpu.memory_space<hbm>> -> memref<1024xf32, #tpu.memory_space<hbm>>
      %dma_wait3A_59 = arith.constant 4096 : i32
      %dma_wait3A_60 = tpu.memref_slice %arg7[%dma_wait3A_59] : memref<9216xf32, #tpu.memory_space<vmem>> -> memref<1024xf32, #tpu.memory_space<vmem>>
      tpu.wait_dma2 semaphore(%run_scoped3A : memref<!tpu.dma_semaphore, #tpu.memory_space<semaphore_mem>>) src(%dma_wait3A_60 : memref<1024xf32, #tpu.memory_space<vmem>>) dst(%dma_wait3A_58 : memref<1024xf32, #tpu.memory_space<hbm>>)
      tpu.yield
    }) : () -> ()
    %add3A_43 = arith.constant 163840 : i32
    %add3A_44 = arith.addi %add3A_43, %mul3A_2 : i32
    "tpu.region"() ({
      %run_scoped3A = tpu.sem_alloc : memref<!tpu.dma_semaphore, #tpu.memory_space<semaphore_mem>>
      %dma_start3A = arith.constant 5120 : i32
      %dma_start3A_51 = tpu.memref_slice %arg7[%dma_start3A] : memref<9216xf32, #tpu.memory_space<vmem>> -> memref<1024xf32, #tpu.memory_space<vmem>>
      %dma_start3A_52 = tpu.memref_slice %arg4[%add3A_44] : memref<524288xf32, #tpu.memory_space<hbm>> -> memref<1024xf32, #tpu.memory_space<hbm>>
      %dma_start3A_53 = tpu.memref_slice %arg4[%add3A_44] : memref<524288xf32, #tpu.memory_space<hbm>> -> memref<1024xf32, #tpu.memory_space<hbm>>
      %dma_start3A_54 = arith.constant 5120 : i32
      %dma_start3A_55 = tpu.memref_slice %arg7[%dma_start3A_54] : memref<9216xf32, #tpu.memory_space<vmem>> -> memref<1024xf32, #tpu.memory_space<vmem>>
      tpu.enqueue_dma source(%dma_start3A_55 : memref<1024xf32, #tpu.memory_space<vmem>>) target(%dma_start3A_53 : memref<1024xf32, #tpu.memory_space<hbm>>) target_semaphore(%run_scoped3A : memref<!tpu.dma_semaphore, #tpu.memory_space<semaphore_mem>>)
      %dma_wait3A = arith.constant 5120 : i32
      %dma_wait3A_56 = tpu.memref_slice %arg7[%dma_wait3A] : memref<9216xf32, #tpu.memory_space<vmem>> -> memref<1024xf32, #tpu.memory_space<vmem>>
      %dma_wait3A_57 = tpu.memref_slice %arg4[%add3A_44] : memref<524288xf32, #tpu.memory_space<hbm>> -> memref<1024xf32, #tpu.memory_space<hbm>>
      %dma_wait3A_58 = tpu.memref_slice %arg4[%add3A_44] : memref<524288xf32, #tpu.memory_space<hbm>> -> memref<1024xf32, #tpu.memory_space<hbm>>
      %dma_wait3A_59 = arith.constant 5120 : i32
      %dma_wait3A_60 = tpu.memref_slice %arg7[%dma_wait3A_59] : memref<9216xf32, #tpu.memory_space<vmem>> -> memref<1024xf32, #tpu.memory_space<vmem>>
      tpu.wait_dma2 semaphore(%run_scoped3A : memref<!tpu.dma_semaphore, #tpu.memory_space<semaphore_mem>>) src(%dma_wait3A_60 : memref<1024xf32, #tpu.memory_space<vmem>>) dst(%dma_wait3A_58 : memref<1024xf32, #tpu.memory_space<hbm>>)
      tpu.yield
    }) : () -> ()
    %add3A_45 = arith.constant 196608 : i32
    %add3A_46 = arith.addi %add3A_45, %mul3A_2 : i32
    "tpu.region"() ({
      %run_scoped3A = tpu.sem_alloc : memref<!tpu.dma_semaphore, #tpu.memory_space<semaphore_mem>>
      %dma_start3A = arith.constant 6144 : i32
      %dma_start3A_51 = tpu.memref_slice %arg7[%dma_start3A] : memref<9216xf32, #tpu.memory_space<vmem>> -> memref<1024xf32, #tpu.memory_space<vmem>>
      %dma_start3A_52 = tpu.memref_slice %arg4[%add3A_46] : memref<524288xf32, #tpu.memory_space<hbm>> -> memref<1024xf32, #tpu.memory_space<hbm>>
      %dma_start3A_53 = tpu.memref_slice %arg4[%add3A_46] : memref<524288xf32, #tpu.memory_space<hbm>> -> memref<1024xf32, #tpu.memory_space<hbm>>
      %dma_start3A_54 = arith.constant 6144 : i32
      %dma_start3A_55 = tpu.memref_slice %arg7[%dma_start3A_54] : memref<9216xf32, #tpu.memory_space<vmem>> -> memref<1024xf32, #tpu.memory_space<vmem>>
      tpu.enqueue_dma source(%dma_start3A_55 : memref<1024xf32, #tpu.memory_space<vmem>>) target(%dma_start3A_53 : memref<1024xf32, #tpu.memory_space<hbm>>) target_semaphore(%run_scoped3A : memref<!tpu.dma_semaphore, #tpu.memory_space<semaphore_mem>>)
      %dma_wait3A = arith.constant 6144 : i32
      %dma_wait3A_56 = tpu.memref_slice %arg7[%dma_wait3A] : memref<9216xf32, #tpu.memory_space<vmem>> -> memref<1024xf32, #tpu.memory_space<vmem>>
      %dma_wait3A_57 = tpu.memref_slice %arg4[%add3A_46] : memref<524288xf32, #tpu.memory_space<hbm>> -> memref<1024xf32, #tpu.memory_space<hbm>>
      %dma_wait3A_58 = tpu.memref_slice %arg4[%add3A_46] : memref<524288xf32, #tpu.memory_space<hbm>> -> memref<1024xf32, #tpu.memory_space<hbm>>
      %dma_wait3A_59 = arith.constant 6144 : i32
      %dma_wait3A_60 = tpu.memref_slice %arg7[%dma_wait3A_59] : memref<9216xf32, #tpu.memory_space<vmem>> -> memref<1024xf32, #tpu.memory_space<vmem>>
      tpu.wait_dma2 semaphore(%run_scoped3A : memref<!tpu.dma_semaphore, #tpu.memory_space<semaphore_mem>>) src(%dma_wait3A_60 : memref<1024xf32, #tpu.memory_space<vmem>>) dst(%dma_wait3A_58 : memref<1024xf32, #tpu.memory_space<hbm>>)
      tpu.yield
    }) : () -> ()
    %add3A_47 = arith.constant 229376 : i32
    %add3A_48 = arith.addi %add3A_47, %mul3A_2 : i32
    "tpu.region"() ({
      %run_scoped3A = tpu.sem_alloc : memref<!tpu.dma_semaphore, #tpu.memory_space<semaphore_mem>>
      %dma_start3A = arith.constant 7168 : i32
      %dma_start3A_51 = tpu.memref_slice %arg7[%dma_start3A] : memref<9216xf32, #tpu.memory_space<vmem>> -> memref<1024xf32, #tpu.memory_space<vmem>>
      %dma_start3A_52 = tpu.memref_slice %arg4[%add3A_48] : memref<524288xf32, #tpu.memory_space<hbm>> -> memref<1024xf32, #tpu.memory_space<hbm>>
      %dma_start3A_53 = tpu.memref_slice %arg4[%add3A_48] : memref<524288xf32, #tpu.memory_space<hbm>> -> memref<1024xf32, #tpu.memory_space<hbm>>
      %dma_start3A_54 = arith.constant 7168 : i32
      %dma_start3A_55 = tpu.memref_slice %arg7[%dma_start3A_54] : memref<9216xf32, #tpu.memory_space<vmem>> -> memref<1024xf32, #tpu.memory_space<vmem>>
      tpu.enqueue_dma source(%dma_start3A_55 : memref<1024xf32, #tpu.memory_space<vmem>>) target(%dma_start3A_53 : memref<1024xf32, #tpu.memory_space<hbm>>) target_semaphore(%run_scoped3A : memref<!tpu.dma_semaphore, #tpu.memory_space<semaphore_mem>>)
      %dma_wait3A = arith.constant 7168 : i32
      %dma_wait3A_56 = tpu.memref_slice %arg7[%dma_wait3A] : memref<9216xf32, #tpu.memory_space<vmem>> -> memref<1024xf32, #tpu.memory_space<vmem>>
      %dma_wait3A_57 = tpu.memref_slice %arg4[%add3A_48] : memref<524288xf32, #tpu.memory_space<hbm>> -> memref<1024xf32, #tpu.memory_space<hbm>>
      %dma_wait3A_58 = tpu.memref_slice %arg4[%add3A_48] : memref<524288xf32, #tpu.memory_space<hbm>> -> memref<1024xf32, #tpu.memory_space<hbm>>
      %dma_wait3A_59 = arith.constant 7168 : i32
      %dma_wait3A_60 = tpu.memref_slice %arg7[%dma_wait3A_59] : memref<9216xf32, #tpu.memory_space<vmem>> -> memref<1024xf32, #tpu.memory_space<vmem>>
      tpu.wait_dma2 semaphore(%run_scoped3A : memref<!tpu.dma_semaphore, #tpu.memory_space<semaphore_mem>>) src(%dma_wait3A_60 : memref<1024xf32, #tpu.memory_space<vmem>>) dst(%dma_wait3A_58 : memref<1024xf32, #tpu.memory_space<hbm>>)
      tpu.yield
    }) : () -> ()
    %add3A_49 = arith.constant 262144 : i32
    %add3A_50 = arith.addi %add3A_49, %mul3A_2 : i32
    "tpu.region"() ({
      %run_scoped3A = tpu.sem_alloc : memref<!tpu.dma_semaphore, #tpu.memory_space<semaphore_mem>>
      %dma_start3A = arith.constant 8192 : i32
      %dma_start3A_51 = tpu.memref_slice %arg7[%dma_start3A] : memref<9216xf32, #tpu.memory_space<vmem>> -> memref<1024xf32, #tpu.memory_space<vmem>>
      %dma_start3A_52 = tpu.memref_slice %arg4[%add3A_50] : memref<524288xf32, #tpu.memory_space<hbm>> -> memref<1024xf32, #tpu.memory_space<hbm>>
      %dma_start3A_53 = tpu.memref_slice %arg4[%add3A_50] : memref<524288xf32, #tpu.memory_space<hbm>> -> memref<1024xf32, #tpu.memory_space<hbm>>
      %dma_start3A_54 = arith.constant 8192 : i32
      %dma_start3A_55 = tpu.memref_slice %arg7[%dma_start3A_54] : memref<9216xf32, #tpu.memory_space<vmem>> -> memref<1024xf32, #tpu.memory_space<vmem>>
      tpu.enqueue_dma source(%dma_start3A_55 : memref<1024xf32, #tpu.memory_space<vmem>>) target(%dma_start3A_53 : memref<1024xf32, #tpu.memory_space<hbm>>) target_semaphore(%run_scoped3A : memref<!tpu.dma_semaphore, #tpu.memory_space<semaphore_mem>>)
      %dma_wait3A = arith.constant 8192 : i32
      %dma_wait3A_56 = tpu.memref_slice %arg7[%dma_wait3A] : memref<9216xf32, #tpu.memory_space<vmem>> -> memref<1024xf32, #tpu.memory_space<vmem>>
      %dma_wait3A_57 = tpu.memref_slice %arg4[%add3A_50] : memref<524288xf32, #tpu.memory_space<hbm>> -> memref<1024xf32, #tpu.memory_space<hbm>>
      %dma_wait3A_58 = tpu.memref_slice %arg4[%add3A_50] : memref<524288xf32, #tpu.memory_space<hbm>> -> memref<1024xf32, #tpu.memory_space<hbm>>
      %dma_wait3A_59 = arith.constant 8192 : i32
      %dma_wait3A_60 = tpu.memref_slice %arg7[%dma_wait3A_59] : memref<9216xf32, #tpu.memory_space<vmem>> -> memref<1024xf32, #tpu.memory_space<vmem>>
      tpu.wait_dma2 semaphore(%run_scoped3A : memref<!tpu.dma_semaphore, #tpu.memory_space<semaphore_mem>>) src(%dma_wait3A_60 : memref<1024xf32, #tpu.memory_space<vmem>>) dst(%dma_wait3A_58 : memref<1024xf32, #tpu.memory_space<hbm>>)
      tpu.yield
    }) : () -> ()
    return
  }
}

module attributes {stable_mosaic.version = 14 : i64} {
  func.func @_proj_body(%arg0: memref<128x128xf32, #tpu.memory_space<vmem>>, %arg1: memref<128x128xf32, #tpu.memory_space<vmem>>, %arg2: memref<128x128xf32, #tpu.memory_space<vmem>>, %arg3: memref<128x128xf32, #tpu.memory_space<vmem>>, %arg4: memref<2048x512xf32, #tpu.memory_space<vmem>>, %arg5: memref<2048x512xbf16, #tpu.memory_space<vmem>>) attributes {dimension_semantics = [], scalar_prefetch = 0 : i64, scratch_operands = 0 : i64, tpu.core_type = #tpu.core_type<tc>} {
    %get3A = arith.constant 0 : index
    %get3A_0 = arith.constant 0 : index
    %get3A_1 = vector.load %arg0[%get3A, %get3A_0] : memref<128x128xf32, #tpu.memory_space<vmem>>, vector<128x128xf32>
    %get3A_2 = arith.constant 0 : index
    %get3A_3 = arith.constant 0 : index
    %get3A_4 = vector.load %arg4[%get3A_2, %get3A_3] : memref<2048x512xf32, #tpu.memory_space<vmem>>, vector<128x512xf32>
    %dot_general3A = arith.constant dense<0.000000e+00> : vector<128x512xf32>
    %dot_general3A_5 = tpu.matmul %get3A_1, %get3A_4, %dot_general3A {dimension_numbers = #tpu.dot_dimension_numbers<[1], [0], [0], [1], [0, 0, 1, 1], [], []>, transpose_lhs_hint = false} : vector<128x128xf32>, vector<128x512xf32>, vector<128x512xf32> -> vector<128x512xf32>
    %convert_element_type3A = arith.truncf %dot_general3A_5 : vector<128x512xf32> to vector<128x512xbf16>
    %swap3A = arith.constant 0 : index
    %swap3A_6 = arith.constant 0 : index
    %swap3A_7 = vector.load %arg5[%swap3A, %swap3A_6] : memref<2048x512xbf16, #tpu.memory_space<vmem>>, vector<128x512xbf16>
    tpu.vector_store %arg5[%swap3A, %swap3A_6], %convert_element_type3A {strides = array<i32>} : memref<2048x512xbf16, #tpu.memory_space<vmem>>, vector<128x512xbf16>,
    %get3A_8 = arith.constant 0 : index
    %get3A_9 = arith.constant 0 : index
    %get3A_10 = vector.load %arg0[%get3A_8, %get3A_9] : memref<128x128xf32, #tpu.memory_space<vmem>>, vector<128x128xf32>
    %get3A_11 = arith.constant 128 : index
    %get3A_12 = arith.constant 0 : index
    %get3A_13 = vector.load %arg4[%get3A_11, %get3A_12] : memref<2048x512xf32, #tpu.memory_space<vmem>>, vector<128x512xf32>
    %dot_general3A_14 = arith.constant dense<0.000000e+00> : vector<128x512xf32>
    %dot_general3A_15 = tpu.matmul %get3A_10, %get3A_13, %dot_general3A_14 {dimension_numbers = #tpu.dot_dimension_numbers<[1], [0], [0], [1], [0, 0, 1, 1], [], []>, transpose_lhs_hint = false} : vector<128x128xf32>, vector<128x512xf32>, vector<128x512xf32> -> vector<128x512xf32>
    %convert_element_type3A_16 = arith.truncf %dot_general3A_15 : vector<128x512xf32> to vector<128x512xbf16>
    %swap3A_17 = arith.constant 128 : index
    %swap3A_18 = arith.constant 0 : index
    %swap3A_19 = vector.load %arg5[%swap3A_17, %swap3A_18] : memref<2048x512xbf16, #tpu.memory_space<vmem>>, vector<128x512xbf16>
    tpu.vector_store %arg5[%swap3A_17, %swap3A_18], %convert_element_type3A_16 {strides = array<i32>} : memref<2048x512xbf16, #tpu.memory_space<vmem>>, vector<128x512xbf16>,
    %get3A_20 = arith.constant 0 : index
    %get3A_21 = arith.constant 0 : index
    %get3A_22 = vector.load %arg0[%get3A_20, %get3A_21] : memref<128x128xf32, #tpu.memory_space<vmem>>, vector<128x128xf32>
    %get3A_23 = arith.constant 256 : index
    %get3A_24 = arith.constant 0 : index
    %get3A_25 = vector.load %arg4[%get3A_23, %get3A_24] : memref<2048x512xf32, #tpu.memory_space<vmem>>, vector<128x512xf32>
    %dot_general3A_26 = arith.constant dense<0.000000e+00> : vector<128x512xf32>
    %dot_general3A_27 = tpu.matmul %get3A_22, %get3A_25, %dot_general3A_26 {dimension_numbers = #tpu.dot_dimension_numbers<[1], [0], [0], [1], [0, 0, 1, 1], [], []>, transpose_lhs_hint = false} : vector<128x128xf32>, vector<128x512xf32>, vector<128x512xf32> -> vector<128x512xf32>
    %convert_element_type3A_28 = arith.truncf %dot_general3A_27 : vector<128x512xf32> to vector<128x512xbf16>
    %swap3A_29 = arith.constant 256 : index
    %swap3A_30 = arith.constant 0 : index
    %swap3A_31 = vector.load %arg5[%swap3A_29, %swap3A_30] : memref<2048x512xbf16, #tpu.memory_space<vmem>>, vector<128x512xbf16>
    tpu.vector_store %arg5[%swap3A_29, %swap3A_30], %convert_element_type3A_28 {strides = array<i32>} : memref<2048x512xbf16, #tpu.memory_space<vmem>>, vector<128x512xbf16>,
    %get3A_32 = arith.constant 0 : index
    %get3A_33 = arith.constant 0 : index
    %get3A_34 = vector.load %arg1[%get3A_32, %get3A_33] : memref<128x128xf32, #tpu.memory_space<vmem>>, vector<128x128xf32>
    %get3A_35 = arith.constant 384 : index
    %get3A_36 = arith.constant 0 : index
    %get3A_37 = vector.load %arg4[%get3A_35, %get3A_36] : memref<2048x512xf32, #tpu.memory_space<vmem>>, vector<128x512xf32>
    %dot_general3A_38 = arith.constant dense<0.000000e+00> : vector<128x512xf32>
    %dot_general3A_39 = tpu.matmul %get3A_34, %get3A_37, %dot_general3A_38 {dimension_numbers = #tpu.dot_dimension_numbers<[1], [0], [0], [1], [0, 0, 1, 1], [], []>, transpose_lhs_hint = false} : vector<128x128xf32>, vector<128x512xf32>, vector<128x512xf32> -> vector<128x512xf32>
    %convert_element_type3A_40 = arith.truncf %dot_general3A_39 : vector<128x512xf32> to vector<128x512xbf16>
    %swap3A_41 = arith.constant 384 : index
    %swap3A_42 = arith.constant 0 : index
    %swap3A_43 = vector.load %arg5[%swap3A_41, %swap3A_42] : memref<2048x512xbf16, #tpu.memory_space<vmem>>, vector<128x512xbf16>
    tpu.vector_store %arg5[%swap3A_41, %swap3A_42], %convert_element_type3A_40 {strides = array<i32>} : memref<2048x512xbf16, #tpu.memory_space<vmem>>, vector<128x512xbf16>,
    %get3A_44 = arith.constant 0 : index
    %get3A_45 = arith.constant 0 : index
    %get3A_46 = vector.load %arg2[%get3A_44, %get3A_45] : memref<128x128xf32, #tpu.memory_space<vmem>>, vector<128x128xf32>
    %get3A_47 = arith.constant 512 : index
    %get3A_48 = arith.constant 0 : index
    %get3A_49 = vector.load %arg4[%get3A_47, %get3A_48] : memref<2048x512xf32, #tpu.memory_space<vmem>>, vector<128x512xf32>
    %dot_general3A_50 = arith.constant dense<0.000000e+00> : vector<128x512xf32>
    %dot_general3A_51 = tpu.matmul %get3A_46, %get3A_49, %dot_general3A_50 {dimension_numbers = #tpu.dot_dimension_numbers<[1], [0], [0], [1], [0, 0, 1, 1], [], []>, transpose_lhs_hint = false} : vector<128x128xf32>, vector<128x512xf32>, vector<128x512xf32> -> vector<128x512xf32>
    %convert_element_type3A_52 = arith.truncf %dot_general3A_51 : vector<128x512xf32> to vector<128x512xbf16>
    %swap3A_53 = arith.constant 512 : index
    %swap3A_54 = arith.constant 0 : index
    %swap3A_55 = vector.load %arg5[%swap3A_53, %swap3A_54] : memref<2048x512xbf16, #tpu.memory_space<vmem>>, vector<128x512xbf16>
    tpu.vector_store %arg5[%swap3A_53, %swap3A_54], %convert_element_type3A_52 {strides = array<i32>} : memref<2048x512xbf16, #tpu.memory_space<vmem>>, vector<128x512xbf16>,
    %get3A_56 = arith.constant 0 : index
    %get3A_57 = arith.constant 0 : index
    %get3A_58 = vector.load %arg2[%get3A_56, %get3A_57] : memref<128x128xf32, #tpu.memory_space<vmem>>, vector<128x128xf32>
    %get3A_59 = arith.constant 640 : index
    %get3A_60 = arith.constant 0 : index
    %get3A_61 = vector.load %arg4[%get3A_59, %get3A_60] : memref<2048x512xf32, #tpu.memory_space<vmem>>, vector<128x512xf32>
    %dot_general3A_62 = arith.constant dense<0.000000e+00> : vector<128x512xf32>
    %dot_general3A_63 = tpu.matmul %get3A_58, %get3A_61, %dot_general3A_62 {dimension_numbers = #tpu.dot_dimension_numbers<[1], [0], [0], [1], [0, 0, 1, 1], [], []>, transpose_lhs_hint = false} : vector<128x128xf32>, vector<128x512xf32>, vector<128x512xf32> -> vector<128x512xf32>
    %convert_element_type3A_64 = arith.truncf %dot_general3A_63 : vector<128x512xf32> to vector<128x512xbf16>
    %swap3A_65 = arith.constant 640 : index
    %swap3A_66 = arith.constant 0 : index
    %swap3A_67 = vector.load %arg5[%swap3A_65, %swap3A_66] : memref<2048x512xbf16, #tpu.memory_space<vmem>>, vector<128x512xbf16>
    tpu.vector_store %arg5[%swap3A_65, %swap3A_66], %convert_element_type3A_64 {strides = array<i32>} : memref<2048x512xbf16, #tpu.memory_space<vmem>>, vector<128x512xbf16>,
    %get3A_68 = arith.constant 0 : index
    %get3A_69 = arith.constant 0 : index
    %get3A_70 = vector.load %arg2[%get3A_68, %get3A_69] : memref<128x128xf32, #tpu.memory_space<vmem>>, vector<128x128xf32>
    %get3A_71 = arith.constant 768 : index
    %get3A_72 = arith.constant 0 : index
    %get3A_73 = vector.load %arg4[%get3A_71, %get3A_72] : memref<2048x512xf32, #tpu.memory_space<vmem>>, vector<128x512xf32>
    %dot_general3A_74 = arith.constant dense<0.000000e+00> : vector<128x512xf32>
    %dot_general3A_75 = tpu.matmul %get3A_70, %get3A_73, %dot_general3A_74 {dimension_numbers = #tpu.dot_dimension_numbers<[1], [0], [0], [1], [0, 0, 1, 1], [], []>, transpose_lhs_hint = false} : vector<128x128xf32>, vector<128x512xf32>, vector<128x512xf32> -> vector<128x512xf32>
    %convert_element_type3A_76 = arith.truncf %dot_general3A_75 : vector<128x512xf32> to vector<128x512xbf16>
    %swap3A_77 = arith.constant 768 : index
    %swap3A_78 = arith.constant 0 : index
    %swap3A_79 = vector.load %arg5[%swap3A_77, %swap3A_78] : memref<2048x512xbf16, #tpu.memory_space<vmem>>, vector<128x512xbf16>
    tpu.vector_store %arg5[%swap3A_77, %swap3A_78], %convert_element_type3A_76 {strides = array<i32>} : memref<2048x512xbf16, #tpu.memory_space<vmem>>, vector<128x512xbf16>,
    %get3A_80 = arith.constant 0 : index
    %get3A_81 = arith.constant 0 : index
    %get3A_82 = vector.load %arg2[%get3A_80, %get3A_81] : memref<128x128xf32, #tpu.memory_space<vmem>>, vector<128x128xf32>
    %get3A_83 = arith.constant 896 : index
    %get3A_84 = arith.constant 0 : index
    %get3A_85 = vector.load %arg4[%get3A_83, %get3A_84] : memref<2048x512xf32, #tpu.memory_space<vmem>>, vector<128x512xf32>
    %dot_general3A_86 = arith.constant dense<0.000000e+00> : vector<128x512xf32>
    %dot_general3A_87 = tpu.matmul %get3A_82, %get3A_85, %dot_general3A_86 {dimension_numbers = #tpu.dot_dimension_numbers<[1], [0], [0], [1], [0, 0, 1, 1], [], []>, transpose_lhs_hint = false} : vector<128x128xf32>, vector<128x512xf32>, vector<128x512xf32> -> vector<128x512xf32>
    %convert_element_type3A_88 = arith.truncf %dot_general3A_87 : vector<128x512xf32> to vector<128x512xbf16>
    %swap3A_89 = arith.constant 896 : index
    %swap3A_90 = arith.constant 0 : index
    %swap3A_91 = vector.load %arg5[%swap3A_89, %swap3A_90] : memref<2048x512xbf16, #tpu.memory_space<vmem>>, vector<128x512xbf16>
    tpu.vector_store %arg5[%swap3A_89, %swap3A_90], %convert_element_type3A_88 {strides = array<i32>} : memref<2048x512xbf16, #tpu.memory_space<vmem>>, vector<128x512xbf16>,
    %get3A_92 = arith.constant 0 : index
    %get3A_93 = arith.constant 0 : index
    %get3A_94 = vector.load %arg2[%get3A_92, %get3A_93] : memref<128x128xf32, #tpu.memory_space<vmem>>, vector<128x128xf32>
    %get3A_95 = arith.constant 1024 : index
    %get3A_96 = arith.constant 0 : index
    %get3A_97 = vector.load %arg4[%get3A_95, %get3A_96] : memref<2048x512xf32, #tpu.memory_space<vmem>>, vector<128x512xf32>
    %dot_general3A_98 = arith.constant dense<0.000000e+00> : vector<128x512xf32>
    %dot_general3A_99 = tpu.matmul %get3A_94, %get3A_97, %dot_general3A_98 {dimension_numbers = #tpu.dot_dimension_numbers<[1], [0], [0], [1], [0, 0, 1, 1], [], []>, transpose_lhs_hint = false} : vector<128x128xf32>, vector<128x512xf32>, vector<128x512xf32> -> vector<128x512xf32>
    %convert_element_type3A_100 = arith.truncf %dot_general3A_99 : vector<128x512xf32> to vector<128x512xbf16>
    %swap3A_101 = arith.constant 1024 : index
    %swap3A_102 = arith.constant 0 : index
    %swap3A_103 = vector.load %arg5[%swap3A_101, %swap3A_102] : memref<2048x512xbf16, #tpu.memory_space<vmem>>, vector<128x512xbf16>
    tpu.vector_store %arg5[%swap3A_101, %swap3A_102], %convert_element_type3A_100 {strides = array<i32>} : memref<2048x512xbf16, #tpu.memory_space<vmem>>, vector<128x512xbf16>,
    %get3A_104 = arith.constant 0 : index
    %get3A_105 = arith.constant 0 : index
    %get3A_106 = vector.load %arg2[%get3A_104, %get3A_105] : memref<128x128xf32, #tpu.memory_space<vmem>>, vector<128x128xf32>
    %get3A_107 = arith.constant 1152 : index
    %get3A_108 = arith.constant 0 : index
    %get3A_109 = vector.load %arg4[%get3A_107, %get3A_108] : memref<2048x512xf32, #tpu.memory_space<vmem>>, vector<128x512xf32>
    %dot_general3A_110 = arith.constant dense<0.000000e+00> : vector<128x512xf32>
    %dot_general3A_111 = tpu.matmul %get3A_106, %get3A_109, %dot_general3A_110 {dimension_numbers = #tpu.dot_dimension_numbers<[1], [0], [0], [1], [0, 0, 1, 1], [], []>, transpose_lhs_hint = false} : vector<128x128xf32>, vector<128x512xf32>, vector<128x512xf32> -> vector<128x512xf32>
    %convert_element_type3A_112 = arith.truncf %dot_general3A_111 : vector<128x512xf32> to vector<128x512xbf16>
    %swap3A_113 = arith.constant 1152 : index
    %swap3A_114 = arith.constant 0 : index
    %swap3A_115 = vector.load %arg5[%swap3A_113, %swap3A_114] : memref<2048x512xbf16, #tpu.memory_space<vmem>>, vector<128x512xbf16>
    tpu.vector_store %arg5[%swap3A_113, %swap3A_114], %convert_element_type3A_112 {strides = array<i32>} : memref<2048x512xbf16, #tpu.memory_space<vmem>>, vector<128x512xbf16>,
    %get3A_116 = arith.constant 0 : index
    %get3A_117 = arith.constant 0 : index
    %get3A_118 = vector.load %arg2[%get3A_116, %get3A_117] : memref<128x128xf32, #tpu.memory_space<vmem>>, vector<128x128xf32>
    %get3A_119 = arith.constant 1280 : index
    %get3A_120 = arith.constant 0 : index
    %get3A_121 = vector.load %arg4[%get3A_119, %get3A_120] : memref<2048x512xf32, #tpu.memory_space<vmem>>, vector<128x512xf32>
    %dot_general3A_122 = arith.constant dense<0.000000e+00> : vector<128x512xf32>
    %dot_general3A_123 = tpu.matmul %get3A_118, %get3A_121, %dot_general3A_122 {dimension_numbers = #tpu.dot_dimension_numbers<[1], [0], [0], [1], [0, 0, 1, 1], [], []>, transpose_lhs_hint = false} : vector<128x128xf32>, vector<128x512xf32>, vector<128x512xf32> -> vector<128x512xf32>
    %convert_element_type3A_124 = arith.truncf %dot_general3A_123 : vector<128x512xf32> to vector<128x512xbf16>
    %swap3A_125 = arith.constant 1280 : index
    %swap3A_126 = arith.constant 0 : index
    %swap3A_127 = vector.load %arg5[%swap3A_125, %swap3A_126] : memref<2048x512xbf16, #tpu.memory_space<vmem>>, vector<128x512xbf16>
    tpu.vector_store %arg5[%swap3A_125, %swap3A_126], %convert_element_type3A_124 {strides = array<i32>} : memref<2048x512xbf16, #tpu.memory_space<vmem>>, vector<128x512xbf16>,
    %get3A_128 = arith.constant 0 : index
    %get3A_129 = arith.constant 0 : index
    %get3A_130 = vector.load %arg2[%get3A_128, %get3A_129] : memref<128x128xf32, #tpu.memory_space<vmem>>, vector<128x128xf32>
    %get3A_131 = arith.constant 1408 : index
    %get3A_132 = arith.constant 0 : index
    %get3A_133 = vector.load %arg4[%get3A_131, %get3A_132] : memref<2048x512xf32, #tpu.memory_space<vmem>>, vector<128x512xf32>
    %dot_general3A_134 = arith.constant dense<0.000000e+00> : vector<128x512xf32>
    %dot_general3A_135 = tpu.matmul %get3A_130, %get3A_133, %dot_general3A_134 {dimension_numbers = #tpu.dot_dimension_numbers<[1], [0], [0], [1], [0, 0, 1, 1], [], []>, transpose_lhs_hint = false} : vector<128x128xf32>, vector<128x512xf32>, vector<128x512xf32> -> vector<128x512xf32>
    %convert_element_type3A_136 = arith.truncf %dot_general3A_135 : vector<128x512xf32> to vector<128x512xbf16>
    %swap3A_137 = arith.constant 1408 : index
    %swap3A_138 = arith.constant 0 : index
    %swap3A_139 = vector.load %arg5[%swap3A_137, %swap3A_138] : memref<2048x512xbf16, #tpu.memory_space<vmem>>, vector<128x512xbf16>
    tpu.vector_store %arg5[%swap3A_137, %swap3A_138], %convert_element_type3A_136 {strides = array<i32>} : memref<2048x512xbf16, #tpu.memory_space<vmem>>, vector<128x512xbf16>,
    %get3A_140 = arith.constant 0 : index
    %get3A_141 = arith.constant 0 : index
    %get3A_142 = vector.load %arg2[%get3A_140, %get3A_141] : memref<128x128xf32, #tpu.memory_space<vmem>>, vector<128x128xf32>
    %get3A_143 = arith.constant 1536 : index
    %get3A_144 = arith.constant 0 : index
    %get3A_145 = vector.load %arg4[%get3A_143, %get3A_144] : memref<2048x512xf32, #tpu.memory_space<vmem>>, vector<128x512xf32>
    %dot_general3A_146 = arith.constant dense<0.000000e+00> : vector<128x512xf32>
    %dot_general3A_147 = tpu.matmul %get3A_142, %get3A_145, %dot_general3A_146 {dimension_numbers = #tpu.dot_dimension_numbers<[1], [0], [0], [1], [0, 0, 1, 1], [], []>, transpose_lhs_hint = false} : vector<128x128xf32>, vector<128x512xf32>, vector<128x512xf32> -> vector<128x512xf32>
    %convert_element_type3A_148 = arith.truncf %dot_general3A_147 : vector<128x512xf32> to vector<128x512xbf16>
    %swap3A_149 = arith.constant 1536 : index
    %swap3A_150 = arith.constant 0 : index
    %swap3A_151 = vector.load %arg5[%swap3A_149, %swap3A_150] : memref<2048x512xbf16, #tpu.memory_space<vmem>>, vector<128x512xbf16>
    tpu.vector_store %arg5[%swap3A_149, %swap3A_150], %convert_element_type3A_148 {strides = array<i32>} : memref<2048x512xbf16, #tpu.memory_space<vmem>>, vector<128x512xbf16>,
    %get3A_152 = arith.constant 0 : index
    %get3A_153 = arith.constant 0 : index
    %get3A_154 = vector.load %arg3[%get3A_152, %get3A_153] : memref<128x128xf32, #tpu.memory_space<vmem>>, vector<128x128xf32>
    %get3A_155 = arith.constant 1664 : index
    %get3A_156 = arith.constant 0 : index
    %get3A_157 = vector.load %arg4[%get3A_155, %get3A_156] : memref<2048x512xf32, #tpu.memory_space<vmem>>, vector<128x512xf32>
    %dot_general3A_158 = arith.constant dense<0.000000e+00> : vector<128x512xf32>
    %dot_general3A_159 = tpu.matmul %get3A_154, %get3A_157, %dot_general3A_158 {dimension_numbers = #tpu.dot_dimension_numbers<[1], [0], [0], [1], [0, 0, 1, 1], [], []>, transpose_lhs_hint = false} : vector<128x128xf32>, vector<128x512xf32>, vector<128x512xf32> -> vector<128x512xf32>
    %convert_element_type3A_160 = arith.truncf %dot_general3A_159 : vector<128x512xf32> to vector<128x512xbf16>
    %swap3A_161 = arith.constant 1664 : index
    %swap3A_162 = arith.constant 0 : index
    %swap3A_163 = vector.load %arg5[%swap3A_161, %swap3A_162] : memref<2048x512xbf16, #tpu.memory_space<vmem>>, vector<128x512xbf16>
    tpu.vector_store %arg5[%swap3A_161, %swap3A_162], %convert_element_type3A_160 {strides = array<i32>} : memref<2048x512xbf16, #tpu.memory_space<vmem>>, vector<128x512xbf16>,
    %get3A_164 = arith.constant 0 : index
    %get3A_165 = arith.constant 0 : index
    %get3A_166 = vector.load %arg3[%get3A_164, %get3A_165] : memref<128x128xf32, #tpu.memory_space<vmem>>, vector<128x128xf32>
    %get3A_167 = arith.constant 1792 : index
    %get3A_168 = arith.constant 0 : index
    %get3A_169 = vector.load %arg4[%get3A_167, %get3A_168] : memref<2048x512xf32, #tpu.memory_space<vmem>>, vector<128x512xf32>
    %dot_general3A_170 = arith.constant dense<0.000000e+00> : vector<128x512xf32>
    %dot_general3A_171 = tpu.matmul %get3A_166, %get3A_169, %dot_general3A_170 {dimension_numbers = #tpu.dot_dimension_numbers<[1], [0], [0], [1], [0, 0, 1, 1], [], []>, transpose_lhs_hint = false} : vector<128x128xf32>, vector<128x512xf32>, vector<128x512xf32> -> vector<128x512xf32>
    %convert_element_type3A_172 = arith.truncf %dot_general3A_171 : vector<128x512xf32> to vector<128x512xbf16>
    %swap3A_173 = arith.constant 1792 : index
    %swap3A_174 = arith.constant 0 : index
    %swap3A_175 = vector.load %arg5[%swap3A_173, %swap3A_174] : memref<2048x512xbf16, #tpu.memory_space<vmem>>, vector<128x512xbf16>
    tpu.vector_store %arg5[%swap3A_173, %swap3A_174], %convert_element_type3A_172 {strides = array<i32>} : memref<2048x512xbf16, #tpu.memory_space<vmem>>, vector<128x512xbf16>,
    %get3A_176 = arith.constant 0 : index
    %get3A_177 = arith.constant 0 : index
    %get3A_178 = vector.load %arg3[%get3A_176, %get3A_177] : memref<128x128xf32, #tpu.memory_space<vmem>>, vector<128x128xf32>
    %get3A_179 = arith.constant 1920 : index
    %get3A_180 = arith.constant 0 : index
    %get3A_181 = vector.load %arg4[%get3A_179, %get3A_180] : memref<2048x512xf32, #tpu.memory_space<vmem>>, vector<128x512xf32>
    %dot_general3A_182 = arith.constant dense<0.000000e+00> : vector<128x512xf32>
    %dot_general3A_183 = tpu.matmul %get3A_178, %get3A_181, %dot_general3A_182 {dimension_numbers = #tpu.dot_dimension_numbers<[1], [0], [0], [1], [0, 0, 1, 1], [], []>, transpose_lhs_hint = false} : vector<128x128xf32>, vector<128x512xf32>, vector<128x512xf32> -> vector<128x512xf32>
    %convert_element_type3A_184 = arith.truncf %dot_general3A_183 : vector<128x512xf32> to vector<128x512xbf16>
    %swap3A_185 = arith.constant 1920 : index
    %swap3A_186 = arith.constant 0 : index
    %swap3A_187 = vector.load %arg5[%swap3A_185, %swap3A_186] : memref<2048x512xbf16, #tpu.memory_space<vmem>>, vector<128x512xbf16>
    tpu.vector_store %arg5[%swap3A_185, %swap3A_186], %convert_element_type3A_184 {strides = array<i32>} : memref<2048x512xbf16, #tpu.memory_space<vmem>>, vector<128x512xbf16>,
    return
  }
}

module attributes {stable_mosaic.version = 14 : i64} {
  func.func @_tc_main_body(%arg0: i32, %arg1: memref<16x512xf32, #tpu.memory_space<vmem>>, %arg2: memref<2048x512xbf16, #tpu.memory_space<vmem>>, %arg3: memref<8x512xf32, #tpu.memory_space<vmem>>, %arg4: memref<512x512xf32, #tpu.memory_space<vmem>>) attributes {dimension_semantics = [#tpu.dimension_semantics<arbitrary>], iteration_bounds = array<i64: 64>, scalar_prefetch = 0 : i64, scratch_operands = 0 : i64, tpu.core_type = #tpu.core_type<tc>, window_params = [{transform_indices = @transform_0, window_bounds = array<i64: 16, 512>}, {pipeline_mode = #tpu.pipeline_mode<synchronous>, transform_indices = @transform_1, window_bounds = array<i64: 2048, 512>}, {pipeline_mode = #tpu.pipeline_mode<synchronous>, transform_indices = @transform_2, window_bounds = array<i64: 8, 512>}, {transform_indices = @transform_3, window_bounds = array<i64: 512, 512>}]} {
    %get3A = arith.constant 0 : index
    %get3A_0 = arith.constant 0 : index
    %get3A_1 = vector.load %arg1[%get3A, %get3A_0] : memref<16x512xf32, #tpu.memory_space<vmem>>, vector<1x512xf32>
    %get3A_2 = arith.constant 1 : index
    %get3A_3 = arith.constant 0 : index
    %get3A_4 = vector.load %arg1[%get3A_2, %get3A_3] : memref<16x512xf32, #tpu.memory_space<vmem>>, vector<1x512xf32>
    %get3A_5 = arith.constant 2 : index
    %get3A_6 = arith.constant 0 : index
    %get3A_7 = vector.load %arg1[%get3A_5, %get3A_6] : memref<16x512xf32, #tpu.memory_space<vmem>>, vector<1x512xf32>
    %get3A_8 = arith.constant 3 : index
    %get3A_9 = arith.constant 0 : index
    %get3A_10 = vector.load %arg1[%get3A_8, %get3A_9] : memref<16x512xf32, #tpu.memory_space<vmem>>, vector<1x512xf32>
    %get3A_11 = arith.constant 4 : index
    %get3A_12 = arith.constant 0 : index
    %get3A_13 = vector.load %arg1[%get3A_11, %get3A_12] : memref<16x512xf32, #tpu.memory_space<vmem>>, vector<1x512xf32>
    %get3A_14 = arith.constant 5 : index
    %get3A_15 = arith.constant 0 : index
    %get3A_16 = vector.load %arg1[%get3A_14, %get3A_15] : memref<16x512xf32, #tpu.memory_space<vmem>>, vector<1x512xf32>
    %get3A_17 = arith.constant 6 : index
    %get3A_18 = arith.constant 0 : index
    %get3A_19 = vector.load %arg1[%get3A_17, %get3A_18] : memref<16x512xf32, #tpu.memory_space<vmem>>, vector<1x512xf32>
    %get3A_20 = arith.constant 7 : index
    %get3A_21 = arith.constant 0 : index
    %get3A_22 = vector.load %arg1[%get3A_20, %get3A_21] : memref<16x512xf32, #tpu.memory_space<vmem>>, vector<1x512xf32>
    %get3A_23 = arith.constant 8 : index
    %get3A_24 = arith.constant 0 : index
    %get3A_25 = vector.load %arg1[%get3A_23, %get3A_24] : memref<16x512xf32, #tpu.memory_space<vmem>>, vector<1x512xf32>
    %sub3A = arith.subf %get3A_1, %get3A_19 : vector<1x512xf32>
    %sub3A_26 = arith.subf %get3A_4, %get3A_22 : vector<1x512xf32>
    %sub3A_27 = arith.subf %get3A_7, %get3A_25 : vector<1x512xf32>
    %sub3A_28 = arith.subf %get3A_10, %get3A_1 : vector<1x512xf32>
    %sub3A_29 = arith.subf %get3A_13, %get3A_4 : vector<1x512xf32>
    %sub3A_30 = arith.subf %get3A_16, %get3A_7 : vector<1x512xf32>
    %mul3A = arith.mulf %sub3A_26, %sub3A_30 : vector<1x512xf32>
    %mul3A_31 = arith.mulf %sub3A_27, %sub3A_29 : vector<1x512xf32>
    %sub3A_32 = arith.subf %mul3A, %mul3A_31 : vector<1x512xf32>
    %mul3A_33 = arith.mulf %sub3A_27, %sub3A_28 : vector<1x512xf32>
    %mul3A_34 = arith.mulf %sub3A, %sub3A_30 : vector<1x512xf32>
    %sub3A_35 = arith.subf %mul3A_33, %mul3A_34 : vector<1x512xf32>
    %mul3A_36 = arith.mulf %sub3A, %sub3A_29 : vector<1x512xf32>
    %mul3A_37 = arith.mulf %sub3A_26, %sub3A_28 : vector<1x512xf32>
    %sub3A_38 = arith.subf %mul3A_36, %mul3A_37 : vector<1x512xf32>
    %mul3A_39 = arith.mulf %sub3A_32, %sub3A_32 : vector<1x512xf32>
    %mul3A_40 = arith.mulf %sub3A_35, %sub3A_35 : vector<1x512xf32>
    %add3A = arith.addf %mul3A_39, %mul3A_40 : vector<1x512xf32>
    %mul3A_41 = arith.mulf %sub3A_38, %sub3A_38 : vector<1x512xf32>
    %add3A_42 = arith.addf %add3A, %mul3A_41 : vector<1x512xf32>
    %sqrt3A = math.sqrt %add3A_42 : vector<1x512xf32>
    %max3A = arith.constant 9.99999996E-13 : f32
    %max3A_43 = vector.broadcast %max3A : f32 to vector<1x512xf32>
    %max3A_44 = arith.maximumf %sqrt3A, %max3A_43 : vector<1x512xf32>
    %div3A = arith.divf %sub3A_32, %max3A_44 : vector<1x512xf32>
    %div3A_45 = arith.divf %sub3A_35, %max3A_44 : vector<1x512xf32>
    %div3A_46 = arith.divf %sub3A_38, %max3A_44 : vector<1x512xf32>
    %mul3A_47 = arith.constant 5.000000e-01 : f32
    %mul3A_48 = vector.broadcast %mul3A_47 : f32 to vector<1x512xf32>
    %mul3A_49 = arith.mulf %sqrt3A, %mul3A_48 : vector<1x512xf32>
    %sub3A_50 = arith.subf %get3A_10, %get3A_1 : vector<1x512xf32>
    %sub3A_51 = arith.subf %get3A_13, %get3A_4 : vector<1x512xf32>
    %sub3A_52 = arith.subf %get3A_16, %get3A_7 : vector<1x512xf32>
    %sub3A_53 = arith.subf %get3A_19, %get3A_1 : vector<1x512xf32>
    %sub3A_54 = arith.subf %get3A_22, %get3A_4 : vector<1x512xf32>
    %sub3A_55 = arith.subf %get3A_25, %get3A_7 : vector<1x512xf32>
    %mul3A_56 = arith.mulf %sub3A_50, %sub3A_50 : vector<1x512xf32>
    %mul3A_57 = arith.mulf %sub3A_51, %sub3A_51 : vector<1x512xf32>
    %add3A_58 = arith.addf %mul3A_56, %mul3A_57 : vector<1x512xf32>
    %mul3A_59 = arith.mulf %sub3A_52, %sub3A_52 : vector<1x512xf32>
    %add3A_60 = arith.addf %add3A_58, %mul3A_59 : vector<1x512xf32>
    %sqrt3A_61 = math.sqrt %add3A_60 : vector<1x512xf32>
    %max3A_62 = arith.constant 9.99999996E-13 : f32
    %max3A_63 = vector.broadcast %max3A_62 : f32 to vector<1x512xf32>
    %max3A_64 = arith.maximumf %sqrt3A_61, %max3A_63 : vector<1x512xf32>
    %mul3A_65 = arith.mulf %sub3A_53, %sub3A_53 : vector<1x512xf32>
    %mul3A_66 = arith.mulf %sub3A_54, %sub3A_54 : vector<1x512xf32>
    %add3A_67 = arith.addf %mul3A_65, %mul3A_66 : vector<1x512xf32>
    %mul3A_68 = arith.mulf %sub3A_55, %sub3A_55 : vector<1x512xf32>
    %add3A_69 = arith.addf %add3A_67, %mul3A_68 : vector<1x512xf32>
    %sqrt3A_70 = math.sqrt %add3A_69 : vector<1x512xf32>
    %max3A_71 = arith.constant 9.99999996E-13 : f32
    %max3A_72 = vector.broadcast %max3A_71 : f32 to vector<1x512xf32>
    %max3A_73 = arith.maximumf %sqrt3A_70, %max3A_72 : vector<1x512xf32>
    %div3A_74 = arith.divf %sub3A_50, %max3A_64 : vector<1x512xf32>
    %div3A_75 = arith.divf %sub3A_53, %max3A_73 : vector<1x512xf32>
    %mul3A_76 = arith.mulf %div3A_74, %div3A_75 : vector<1x512xf32>
    %div3A_77 = arith.divf %sub3A_51, %max3A_64 : vector<1x512xf32>
    %div3A_78 = arith.divf %sub3A_54, %max3A_73 : vector<1x512xf32>
    %mul3A_79 = arith.mulf %div3A_77, %div3A_78 : vector<1x512xf32>
    %add3A_80 = arith.addf %mul3A_76, %mul3A_79 : vector<1x512xf32>
    %div3A_81 = arith.divf %sub3A_52, %max3A_64 : vector<1x512xf32>
    %div3A_82 = arith.divf %sub3A_55, %max3A_73 : vector<1x512xf32>
    %mul3A_83 = arith.mulf %div3A_81, %div3A_82 : vector<1x512xf32>
    %add3A_84 = arith.addf %add3A_80, %mul3A_83 : vector<1x512xf32>
    %jit3A = arith.constant -1.000000e+00 : f32
    %jit3A_85 = arith.constant 1.000000e+00 : f32
    %max3A_86 = vector.broadcast %jit3A : f32 to vector<1x512xf32>
    %max3A_87 = arith.maximumf %max3A_86, %add3A_84 : vector<1x512xf32>
    %min3A = vector.broadcast %jit3A_85 : f32 to vector<1x512xf32>
    %min3A_88 = arith.minimumf %min3A, %max3A_87 : vector<1x512xf32>
    %mul3A_89 = arith.mulf %min3A_88, %min3A_88 : vector<1x512xf32>
    %sub3A_90 = arith.constant 1.000000e+00 : f32
    %sub3A_91 = vector.broadcast %sub3A_90 : f32 to vector<1x512xf32>
    %sub3A_92 = arith.subf %sub3A_91, %mul3A_89 : vector<1x512xf32>
    %sqrt3A_93 = math.sqrt %sub3A_92 : vector<1x512xf32>
    %add3A_94 = arith.constant 1.000000e+00 : f32
    %add3A_95 = vector.broadcast %add3A_94 : f32 to vector<1x512xf32>
    %add3A_96 = arith.addf %add3A_95, %min3A_88 : vector<1x512xf32>
    %atan23A = math.atan2 %sqrt3A_93, %add3A_96 : vector<1x512xf32>
    %mul3A_97 = arith.constant 2.000000e+00 : f32
    %mul3A_98 = vector.broadcast %mul3A_97 : f32 to vector<1x512xf32>
    %mul3A_99 = arith.mulf %mul3A_98, %atan23A : vector<1x512xf32>
    %eq3A = arith.constant -1.000000e+00 : f32
    %eq3A_100 = vector.broadcast %eq3A : f32 to vector<1x512xf32>
    %eq3A_101 = arith.cmpf oeq, %min3A_88, %eq3A_100 : vector<1x512xf32>
    %jit3A_102 = arith.constant 3.14159274 : f32
    %broadcast_in_dim3A = vector.broadcast %jit3A_102 : f32 to vector<1x512xf32>
    %select_n3A = arith.select %eq3A_101, %broadcast_in_dim3A, %mul3A_99 : vector<1x512xi1>, vector<1x512xf32>
    %sub3A_103 = arith.subf %get3A_19, %get3A_10 : vector<1x512xf32>
    %sub3A_104 = arith.subf %get3A_22, %get3A_13 : vector<1x512xf32>
    %sub3A_105 = arith.subf %get3A_25, %get3A_16 : vector<1x512xf32>
    %sub3A_106 = arith.subf %get3A_1, %get3A_10 : vector<1x512xf32>
    %sub3A_107 = arith.subf %get3A_4, %get3A_13 : vector<1x512xf32>
    %sub3A_108 = arith.subf %get3A_7, %get3A_16 : vector<1x512xf32>
    %mul3A_109 = arith.mulf %sub3A_103, %sub3A_103 : vector<1x512xf32>
    %mul3A_110 = arith.mulf %sub3A_104, %sub3A_104 : vector<1x512xf32>
    %add3A_111 = arith.addf %mul3A_109, %mul3A_110 : vector<1x512xf32>
    %mul3A_112 = arith.mulf %sub3A_105, %sub3A_105 : vector<1x512xf32>
    %add3A_113 = arith.addf %add3A_111, %mul3A_112 : vector<1x512xf32>
    %sqrt3A_114 = math.sqrt %add3A_113 : vector<1x512xf32>
    %max3A_115 = arith.constant 9.99999996E-13 : f32
    %max3A_116 = vector.broadcast %max3A_115 : f32 to vector<1x512xf32>
    %max3A_117 = arith.maximumf %sqrt3A_114, %max3A_116 : vector<1x512xf32>
    %mul3A_118 = arith.mulf %sub3A_106, %sub3A_106 : vector<1x512xf32>
    %mul3A_119 = arith.mulf %sub3A_107, %sub3A_107 : vector<1x512xf32>
    %add3A_120 = arith.addf %mul3A_118, %mul3A_119 : vector<1x512xf32>
    %mul3A_121 = arith.mulf %sub3A_108, %sub3A_108 : vector<1x512xf32>
    %add3A_122 = arith.addf %add3A_120, %mul3A_121 : vector<1x512xf32>
    %sqrt3A_123 = math.sqrt %add3A_122 : vector<1x512xf32>
    %max3A_124 = arith.constant 9.99999996E-13 : f32
    %max3A_125 = vector.broadcast %max3A_124 : f32 to vector<1x512xf32>
    %max3A_126 = arith.maximumf %sqrt3A_123, %max3A_125 : vector<1x512xf32>
    %div3A_127 = arith.divf %sub3A_103, %max3A_117 : vector<1x512xf32>
    %div3A_128 = arith.divf %sub3A_106, %max3A_126 : vector<1x512xf32>
    %mul3A_129 = arith.mulf %div3A_127, %div3A_128 : vector<1x512xf32>
    %div3A_130 = arith.divf %sub3A_104, %max3A_117 : vector<1x512xf32>
    %div3A_131 = arith.divf %sub3A_107, %max3A_126 : vector<1x512xf32>
    %mul3A_132 = arith.mulf %div3A_130, %div3A_131 : vector<1x512xf32>
    %add3A_133 = arith.addf %mul3A_129, %mul3A_132 : vector<1x512xf32>
    %div3A_134 = arith.divf %sub3A_105, %max3A_117 : vector<1x512xf32>
    %div3A_135 = arith.divf %sub3A_108, %max3A_126 : vector<1x512xf32>
    %mul3A_136 = arith.mulf %div3A_134, %div3A_135 : vector<1x512xf32>
    %add3A_137 = arith.addf %add3A_133, %mul3A_136 : vector<1x512xf32>
    %jit3A_138 = arith.constant -1.000000e+00 : f32
    %jit3A_139 = arith.constant 1.000000e+00 : f32
    %max3A_140 = vector.broadcast %jit3A_138 : f32 to vector<1x512xf32>
    %max3A_141 = arith.maximumf %max3A_140, %add3A_137 : vector<1x512xf32>
    %min3A_142 = vector.broadcast %jit3A_139 : f32 to vector<1x512xf32>
    %min3A_143 = arith.minimumf %min3A_142, %max3A_141 : vector<1x512xf32>
    %mul3A_144 = arith.mulf %min3A_143, %min3A_143 : vector<1x512xf32>
    %sub3A_145 = arith.constant 1.000000e+00 : f32
    %sub3A_146 = vector.broadcast %sub3A_145 : f32 to vector<1x512xf32>
    %sub3A_147 = arith.subf %sub3A_146, %mul3A_144 : vector<1x512xf32>
    %sqrt3A_148 = math.sqrt %sub3A_147 : vector<1x512xf32>
    %add3A_149 = arith.constant 1.000000e+00 : f32
    %add3A_150 = vector.broadcast %add3A_149 : f32 to vector<1x512xf32>
    %add3A_151 = arith.addf %add3A_150, %min3A_143 : vector<1x512xf32>
    %atan23A_152 = math.atan2 %sqrt3A_148, %add3A_151 : vector<1x512xf32>
    %mul3A_153 = arith.constant 2.000000e+00 : f32
    %mul3A_154 = vector.broadcast %mul3A_153 : f32 to vector<1x512xf32>
    %mul3A_155 = arith.mulf %mul3A_154, %atan23A_152 : vector<1x512xf32>
    %eq3A_156 = arith.constant -1.000000e+00 : f32
    %eq3A_157 = vector.broadcast %eq3A_156 : f32 to vector<1x512xf32>
    %eq3A_158 = arith.cmpf oeq, %min3A_143, %eq3A_157 : vector<1x512xf32>
    %jit3A_159 = arith.constant 3.14159274 : f32
    %broadcast_in_dim3A_160 = vector.broadcast %jit3A_159 : f32 to vector<1x512xf32>
    %select_n3A_161 = arith.select %eq3A_158, %broadcast_in_dim3A_160, %mul3A_155 : vector<1x512xi1>, vector<1x512xf32>
    %sub3A_162 = arith.subf %get3A_1, %get3A_19 : vector<1x512xf32>
    %sub3A_163 = arith.subf %get3A_4, %get3A_22 : vector<1x512xf32>
    %sub3A_164 = arith.subf %get3A_7, %get3A_25 : vector<1x512xf32>
    %sub3A_165 = arith.subf %get3A_10, %get3A_19 : vector<1x512xf32>
    %sub3A_166 = arith.subf %get3A_13, %get3A_22 : vector<1x512xf32>
    %sub3A_167 = arith.subf %get3A_16, %get3A_25 : vector<1x512xf32>
    %mul3A_168 = arith.mulf %sub3A_162, %sub3A_162 : vector<1x512xf32>
    %mul3A_169 = arith.mulf %sub3A_163, %sub3A_163 : vector<1x512xf32>
    %add3A_170 = arith.addf %mul3A_168, %mul3A_169 : vector<1x512xf32>
    %mul3A_171 = arith.mulf %sub3A_164, %sub3A_164 : vector<1x512xf32>
    %add3A_172 = arith.addf %add3A_170, %mul3A_171 : vector<1x512xf32>
    %sqrt3A_173 = math.sqrt %add3A_172 : vector<1x512xf32>
    %max3A_174 = arith.constant 9.99999996E-13 : f32
    %max3A_175 = vector.broadcast %max3A_174 : f32 to vector<1x512xf32>
    %max3A_176 = arith.maximumf %sqrt3A_173, %max3A_175 : vector<1x512xf32>
    %mul3A_177 = arith.mulf %sub3A_165, %sub3A_165 : vector<1x512xf32>
    %mul3A_178 = arith.mulf %sub3A_166, %sub3A_166 : vector<1x512xf32>
    %add3A_179 = arith.addf %mul3A_177, %mul3A_178 : vector<1x512xf32>
    %mul3A_180 = arith.mulf %sub3A_167, %sub3A_167 : vector<1x512xf32>
    %add3A_181 = arith.addf %add3A_179, %mul3A_180 : vector<1x512xf32>
    %sqrt3A_182 = math.sqrt %add3A_181 : vector<1x512xf32>
    %max3A_183 = arith.constant 9.99999996E-13 : f32
    %max3A_184 = vector.broadcast %max3A_183 : f32 to vector<1x512xf32>
    %max3A_185 = arith.maximumf %sqrt3A_182, %max3A_184 : vector<1x512xf32>
    %div3A_186 = arith.divf %sub3A_162, %max3A_176 : vector<1x512xf32>
    %div3A_187 = arith.divf %sub3A_165, %max3A_185 : vector<1x512xf32>
    %mul3A_188 = arith.mulf %div3A_186, %div3A_187 : vector<1x512xf32>
    %div3A_189 = arith.divf %sub3A_163, %max3A_176 : vector<1x512xf32>
    %div3A_190 = arith.divf %sub3A_166, %max3A_185 : vector<1x512xf32>
    %mul3A_191 = arith.mulf %div3A_189, %div3A_190 : vector<1x512xf32>
    %add3A_192 = arith.addf %mul3A_188, %mul3A_191 : vector<1x512xf32>
    %div3A_193 = arith.divf %sub3A_164, %max3A_176 : vector<1x512xf32>
    %div3A_194 = arith.divf %sub3A_167, %max3A_185 : vector<1x512xf32>
    %mul3A_195 = arith.mulf %div3A_193, %div3A_194 : vector<1x512xf32>
    %add3A_196 = arith.addf %add3A_192, %mul3A_195 : vector<1x512xf32>
    %jit3A_197 = arith.constant -1.000000e+00 : f32
    %jit3A_198 = arith.constant 1.000000e+00 : f32
    %max3A_199 = vector.broadcast %jit3A_197 : f32 to vector<1x512xf32>
    %max3A_200 = arith.maximumf %max3A_199, %add3A_196 : vector<1x512xf32>
    %min3A_201 = vector.broadcast %jit3A_198 : f32 to vector<1x512xf32>
    %min3A_202 = arith.minimumf %min3A_201, %max3A_200 : vector<1x512xf32>
    %mul3A_203 = arith.mulf %min3A_202, %min3A_202 : vector<1x512xf32>
    %sub3A_204 = arith.constant 1.000000e+00 : f32
    %sub3A_205 = vector.broadcast %sub3A_204 : f32 to vector<1x512xf32>
    %sub3A_206 = arith.subf %sub3A_205, %mul3A_203 : vector<1x512xf32>
    %sqrt3A_207 = math.sqrt %sub3A_206 : vector<1x512xf32>
    %add3A_208 = arith.constant 1.000000e+00 : f32
    %add3A_209 = vector.broadcast %add3A_208 : f32 to vector<1x512xf32>
    %add3A_210 = arith.addf %add3A_209, %min3A_202 : vector<1x512xf32>
    %atan23A_211 = math.atan2 %sqrt3A_207, %add3A_210 : vector<1x512xf32>
    %mul3A_212 = arith.constant 2.000000e+00 : f32
    %mul3A_213 = vector.broadcast %mul3A_212 : f32 to vector<1x512xf32>
    %mul3A_214 = arith.mulf %mul3A_213, %atan23A_211 : vector<1x512xf32>
    %eq3A_215 = arith.constant -1.000000e+00 : f32
    %eq3A_216 = vector.broadcast %eq3A_215 : f32 to vector<1x512xf32>
    %eq3A_217 = arith.cmpf oeq, %min3A_202, %eq3A_216 : vector<1x512xf32>
    %jit3A_218 = arith.constant 3.14159274 : f32
    %broadcast_in_dim3A_219 = vector.broadcast %jit3A_218 : f32 to vector<1x512xf32>
    %select_n3A_220 = arith.select %eq3A_217, %broadcast_in_dim3A_219, %mul3A_214 : vector<1x512xi1>, vector<1x512xf32>
    %jit3A_221 = arith.constant -1.000000e+00 : f32
    %jit3A_222 = arith.constant 1.000000e+00 : f32
    %max3A_223 = vector.broadcast %jit3A_221 : f32 to vector<1x512xf32>
    %max3A_224 = arith.maximumf %max3A_223, %div3A : vector<1x512xf32>
    %min3A_225 = vector.broadcast %jit3A_222 : f32 to vector<1x512xf32>
    %min3A_226 = arith.minimumf %min3A_225, %max3A_224 : vector<1x512xf32>
    %sub3A_227 = arith.constant -1.000000e+00 : f32
    %sub3A_228 = vector.broadcast %sub3A_227 : f32 to vector<1x512xf32>
    %sub3A_229 = arith.subf %min3A_226, %sub3A_228 : vector<1x512xf32>
    %div3A_230 = arith.constant 2.000000e+00 : f32
    %div3A_231 = vector.broadcast %div3A_230 : f32 to vector<1x512xf32>
    %div3A_232 = arith.divf %sub3A_229, %div3A_231 : vector<1x512xf32>
    %mul3A_233 = arith.constant 1.280000e+02 : f32
    %mul3A_234 = vector.broadcast %mul3A_233 : f32 to vector<1x512xf32>
    %mul3A_235 = arith.mulf %div3A_232, %mul3A_234 : vector<1x512xf32>
    %convert_element_type3A = arith.fptosi %mul3A_235 : vector<1x512xf32> to vector<1x512xi32>
    %jit3A_236 = arith.constant 0 : i32
    %jit3A_237 = arith.constant 127 : i32
    %max3A_238 = vector.broadcast %jit3A_236 : i32 to vector<1x512xi32>
    %max3A_239 = arith.maxsi %max3A_238, %convert_element_type3A : vector<1x512xi32>
    %min3A_240 = vector.broadcast %jit3A_237 : i32 to vector<1x512xi32>
    %min3A_241 = arith.minsi %min3A_240, %max3A_239 : vector<1x512xi32>
    %jit3A_242 = arith.constant -1.000000e+00 : f32
    %jit3A_243 = arith.constant 1.000000e+00 : f32
    %max3A_244 = vector.broadcast %jit3A_242 : f32 to vector<1x512xf32>
    %max3A_245 = arith.maximumf %max3A_244, %div3A_45 : vector<1x512xf32>
    %min3A_246 = vector.broadcast %jit3A_243 : f32 to vector<1x512xf32>
    %min3A_247 = arith.minimumf %min3A_246, %max3A_245 : vector<1x512xf32>
    %sub3A_248 = arith.constant -1.000000e+00 : f32
    %sub3A_249 = vector.broadcast %sub3A_248 : f32 to vector<1x512xf32>
    %sub3A_250 = arith.subf %min3A_247, %sub3A_249 : vector<1x512xf32>
    %div3A_251 = arith.constant 2.000000e+00 : f32
    %div3A_252 = vector.broadcast %div3A_251 : f32 to vector<1x512xf32>
    %div3A_253 = arith.divf %sub3A_250, %div3A_252 : vector<1x512xf32>
    %mul3A_254 = arith.constant 1.280000e+02 : f32
    %mul3A_255 = vector.broadcast %mul3A_254 : f32 to vector<1x512xf32>
    %mul3A_256 = arith.mulf %div3A_253, %mul3A_255 : vector<1x512xf32>
    %convert_element_type3A_257 = arith.fptosi %mul3A_256 : vector<1x512xf32> to vector<1x512xi32>
    %jit3A_258 = arith.constant 0 : i32
    %jit3A_259 = arith.constant 127 : i32
    %max3A_260 = vector.broadcast %jit3A_258 : i32 to vector<1x512xi32>
    %max3A_261 = arith.maxsi %max3A_260, %convert_element_type3A_257 : vector<1x512xi32>
    %min3A_262 = vector.broadcast %jit3A_259 : i32 to vector<1x512xi32>
    %min3A_263 = arith.minsi %min3A_262, %max3A_261 : vector<1x512xi32>
    %jit3A_264 = arith.constant -1.000000e+00 : f32
    %jit3A_265 = arith.constant 1.000000e+00 : f32
    %max3A_266 = vector.broadcast %jit3A_264 : f32 to vector<1x512xf32>
    %max3A_267 = arith.maximumf %max3A_266, %div3A_46 : vector<1x512xf32>
    %min3A_268 = vector.broadcast %jit3A_265 : f32 to vector<1x512xf32>
    %min3A_269 = arith.minimumf %min3A_268, %max3A_267 : vector<1x512xf32>
    %sub3A_270 = arith.constant -1.000000e+00 : f32
    %sub3A_271 = vector.broadcast %sub3A_270 : f32 to vector<1x512xf32>
    %sub3A_272 = arith.subf %min3A_269, %sub3A_271 : vector<1x512xf32>
    %div3A_273 = arith.constant 2.000000e+00 : f32
    %div3A_274 = vector.broadcast %div3A_273 : f32 to vector<1x512xf32>
    %div3A_275 = arith.divf %sub3A_272, %div3A_274 : vector<1x512xf32>
    %mul3A_276 = arith.constant 1.280000e+02 : f32
    %mul3A_277 = vector.broadcast %mul3A_276 : f32 to vector<1x512xf32>
    %mul3A_278 = arith.mulf %div3A_275, %mul3A_277 : vector<1x512xf32>
    %convert_element_type3A_279 = arith.fptosi %mul3A_278 : vector<1x512xf32> to vector<1x512xi32>
    %jit3A_280 = arith.constant 0 : i32
    %jit3A_281 = arith.constant 127 : i32
    %max3A_282 = vector.broadcast %jit3A_280 : i32 to vector<1x512xi32>
    %max3A_283 = arith.maxsi %max3A_282, %convert_element_type3A_279 : vector<1x512xi32>
    %min3A_284 = vector.broadcast %jit3A_281 : i32 to vector<1x512xi32>
    %min3A_285 = arith.minsi %min3A_284, %max3A_283 : vector<1x512xi32>
    %jit3A_286 = arith.constant 0.000000e+00 : f32
    %jit3A_287 = arith.constant 2.000000e+00 : f32
    %max3A_288 = vector.broadcast %jit3A_286 : f32 to vector<1x512xf32>
    %max3A_289 = arith.maximumf %max3A_288, %mul3A_49 : vector<1x512xf32>
    %min3A_290 = vector.broadcast %jit3A_287 : f32 to vector<1x512xf32>
    %min3A_291 = arith.minimumf %min3A_290, %max3A_289 : vector<1x512xf32>
    %sub3A_292 = arith.constant 0.000000e+00 : f32
    %sub3A_293 = vector.broadcast %sub3A_292 : f32 to vector<1x512xf32>
    %sub3A_294 = arith.subf %min3A_291, %sub3A_293 : vector<1x512xf32>
    %div3A_295 = arith.constant 2.000000e+00 : f32
    %div3A_296 = vector.broadcast %div3A_295 : f32 to vector<1x512xf32>
    %div3A_297 = arith.divf %sub3A_294, %div3A_296 : vector<1x512xf32>
    %mul3A_298 = arith.constant 1.280000e+02 : f32
    %mul3A_299 = vector.broadcast %mul3A_298 : f32 to vector<1x512xf32>
    %mul3A_300 = arith.mulf %div3A_297, %mul3A_299 : vector<1x512xf32>
    %convert_element_type3A_301 = arith.fptosi %mul3A_300 : vector<1x512xf32> to vector<1x512xi32>
    %jit3A_302 = arith.constant 0 : i32
    %jit3A_303 = arith.constant 127 : i32
    %max3A_304 = vector.broadcast %jit3A_302 : i32 to vector<1x512xi32>
    %max3A_305 = arith.maxsi %max3A_304, %convert_element_type3A_301 : vector<1x512xi32>
    %min3A_306 = vector.broadcast %jit3A_303 : i32 to vector<1x512xi32>
    %min3A_307 = arith.minsi %min3A_306, %max3A_305 : vector<1x512xi32>
    %jit3A_308 = arith.constant -5.000000e-01 : f32
    %jit3A_309 = arith.constant 5.000000e-01 : f32
    %max3A_310 = vector.broadcast %jit3A_308 : f32 to vector<1x512xf32>
    %max3A_311 = arith.maximumf %max3A_310, %get3A_1 : vector<1x512xf32>
    %min3A_312 = vector.broadcast %jit3A_309 : f32 to vector<1x512xf32>
    %min3A_313 = arith.minimumf %min3A_312, %max3A_311 : vector<1x512xf32>
    %sub3A_314 = arith.constant -5.000000e-01 : f32
    %sub3A_315 = vector.broadcast %sub3A_314 : f32 to vector<1x512xf32>
    %sub3A_316 = arith.subf %min3A_313, %sub3A_315 : vector<1x512xf32>
    %div3A_317 = arith.constant 1.000000e+00 : f32
    %div3A_318 = vector.broadcast %div3A_317 : f32 to vector<1x512xf32>
    %div3A_319 = arith.divf %sub3A_316, %div3A_318 : vector<1x512xf32>
    %mul3A_320 = arith.constant 1.280000e+02 : f32
    %mul3A_321 = vector.broadcast %mul3A_320 : f32 to vector<1x512xf32>
    %mul3A_322 = arith.mulf %div3A_319, %mul3A_321 : vector<1x512xf32>
    %convert_element_type3A_323 = arith.fptosi %mul3A_322 : vector<1x512xf32> to vector<1x512xi32>
    %jit3A_324 = arith.constant 0 : i32
    %jit3A_325 = arith.constant 127 : i32
    %max3A_326 = vector.broadcast %jit3A_324 : i32 to vector<1x512xi32>
    %max3A_327 = arith.maxsi %max3A_326, %convert_element_type3A_323 : vector<1x512xi32>
    %min3A_328 = vector.broadcast %jit3A_325 : i32 to vector<1x512xi32>
    %min3A_329 = arith.minsi %min3A_328, %max3A_327 : vector<1x512xi32>
    %jit3A_330 = arith.constant -5.000000e-01 : f32
    %jit3A_331 = arith.constant 5.000000e-01 : f32
    %max3A_332 = vector.broadcast %jit3A_330 : f32 to vector<1x512xf32>
    %max3A_333 = arith.maximumf %max3A_332, %get3A_4 : vector<1x512xf32>
    %min3A_334 = vector.broadcast %jit3A_331 : f32 to vector<1x512xf32>
    %min3A_335 = arith.minimumf %min3A_334, %max3A_333 : vector<1x512xf32>
    %sub3A_336 = arith.constant -5.000000e-01 : f32
    %sub3A_337 = vector.broadcast %sub3A_336 : f32 to vector<1x512xf32>
    %sub3A_338 = arith.subf %min3A_335, %sub3A_337 : vector<1x512xf32>
    %div3A_339 = arith.constant 1.000000e+00 : f32
    %div3A_340 = vector.broadcast %div3A_339 : f32 to vector<1x512xf32>
    %div3A_341 = arith.divf %sub3A_338, %div3A_340 : vector<1x512xf32>
    %mul3A_342 = arith.constant 1.280000e+02 : f32
    %mul3A_343 = vector.broadcast %mul3A_342 : f32 to vector<1x512xf32>
    %mul3A_344 = arith.mulf %div3A_341, %mul3A_343 : vector<1x512xf32>
    %convert_element_type3A_345 = arith.fptosi %mul3A_344 : vector<1x512xf32> to vector<1x512xi32>
    %jit3A_346 = arith.constant 0 : i32
    %jit3A_347 = arith.constant 127 : i32
    %max3A_348 = vector.broadcast %jit3A_346 : i32 to vector<1x512xi32>
    %max3A_349 = arith.maxsi %max3A_348, %convert_element_type3A_345 : vector<1x512xi32>
    %min3A_350 = vector.broadcast %jit3A_347 : i32 to vector<1x512xi32>
    %min3A_351 = arith.minsi %min3A_350, %max3A_349 : vector<1x512xi32>
    %jit3A_352 = arith.constant -5.000000e-01 : f32
    %jit3A_353 = arith.constant 5.000000e-01 : f32
    %max3A_354 = vector.broadcast %jit3A_352 : f32 to vector<1x512xf32>
    %max3A_355 = arith.maximumf %max3A_354, %get3A_7 : vector<1x512xf32>
    %min3A_356 = vector.broadcast %jit3A_353 : f32 to vector<1x512xf32>
    %min3A_357 = arith.minimumf %min3A_356, %max3A_355 : vector<1x512xf32>
    %sub3A_358 = arith.constant -5.000000e-01 : f32
    %sub3A_359 = vector.broadcast %sub3A_358 : f32 to vector<1x512xf32>
    %sub3A_360 = arith.subf %min3A_357, %sub3A_359 : vector<1x512xf32>
    %div3A_361 = arith.constant 1.000000e+00 : f32
    %div3A_362 = vector.broadcast %div3A_361 : f32 to vector<1x512xf32>
    %div3A_363 = arith.divf %sub3A_360, %div3A_362 : vector<1x512xf32>
    %mul3A_364 = arith.constant 1.280000e+02 : f32
    %mul3A_365 = vector.broadcast %mul3A_364 : f32 to vector<1x512xf32>
    %mul3A_366 = arith.mulf %div3A_363, %mul3A_365 : vector<1x512xf32>
    %convert_element_type3A_367 = arith.fptosi %mul3A_366 : vector<1x512xf32> to vector<1x512xi32>
    %jit3A_368 = arith.constant 0 : i32
    %jit3A_369 = arith.constant 127 : i32
    %max3A_370 = vector.broadcast %jit3A_368 : i32 to vector<1x512xi32>
    %max3A_371 = arith.maxsi %max3A_370, %convert_element_type3A_367 : vector<1x512xi32>
    %min3A_372 = vector.broadcast %jit3A_369 : i32 to vector<1x512xi32>
    %min3A_373 = arith.minsi %min3A_372, %max3A_371 : vector<1x512xi32>
    %jit3A_374 = arith.constant -5.000000e-01 : f32
    %jit3A_375 = arith.constant 5.000000e-01 : f32
    %max3A_376 = vector.broadcast %jit3A_374 : f32 to vector<1x512xf32>
    %max3A_377 = arith.maximumf %max3A_376, %get3A_10 : vector<1x512xf32>
    %min3A_378 = vector.broadcast %jit3A_375 : f32 to vector<1x512xf32>
    %min3A_379 = arith.minimumf %min3A_378, %max3A_377 : vector<1x512xf32>
    %sub3A_380 = arith.constant -5.000000e-01 : f32
    %sub3A_381 = vector.broadcast %sub3A_380 : f32 to vector<1x512xf32>
    %sub3A_382 = arith.subf %min3A_379, %sub3A_381 : vector<1x512xf32>
    %div3A_383 = arith.constant 1.000000e+00 : f32
    %div3A_384 = vector.broadcast %div3A_383 : f32 to vector<1x512xf32>
    %div3A_385 = arith.divf %sub3A_382, %div3A_384 : vector<1x512xf32>
    %mul3A_386 = arith.constant 1.280000e+02 : f32
    %mul3A_387 = vector.broadcast %mul3A_386 : f32 to vector<1x512xf32>
    %mul3A_388 = arith.mulf %div3A_385, %mul3A_387 : vector<1x512xf32>
    %convert_element_type3A_389 = arith.fptosi %mul3A_388 : vector<1x512xf32> to vector<1x512xi32>
    %jit3A_390 = arith.constant 0 : i32
    %jit3A_391 = arith.constant 127 : i32
    %max3A_392 = vector.broadcast %jit3A_390 : i32 to vector<1x512xi32>
    %max3A_393 = arith.maxsi %max3A_392, %convert_element_type3A_389 : vector<1x512xi32>
    %min3A_394 = vector.broadcast %jit3A_391 : i32 to vector<1x512xi32>
    %min3A_395 = arith.minsi %min3A_394, %max3A_393 : vector<1x512xi32>
    %jit3A_396 = arith.constant -5.000000e-01 : f32
    %jit3A_397 = arith.constant 5.000000e-01 : f32
    %max3A_398 = vector.broadcast %jit3A_396 : f32 to vector<1x512xf32>
    %max3A_399 = arith.maximumf %max3A_398, %get3A_13 : vector<1x512xf32>
    %min3A_400 = vector.broadcast %jit3A_397 : f32 to vector<1x512xf32>
    %min3A_401 = arith.minimumf %min3A_400, %max3A_399 : vector<1x512xf32>
    %sub3A_402 = arith.constant -5.000000e-01 : f32
    %sub3A_403 = vector.broadcast %sub3A_402 : f32 to vector<1x512xf32>
    %sub3A_404 = arith.subf %min3A_401, %sub3A_403 : vector<1x512xf32>
    %div3A_405 = arith.constant 1.000000e+00 : f32
    %div3A_406 = vector.broadcast %div3A_405 : f32 to vector<1x512xf32>
    %div3A_407 = arith.divf %sub3A_404, %div3A_406 : vector<1x512xf32>
    %mul3A_408 = arith.constant 1.280000e+02 : f32
    %mul3A_409 = vector.broadcast %mul3A_408 : f32 to vector<1x512xf32>
    %mul3A_410 = arith.mulf %div3A_407, %mul3A_409 : vector<1x512xf32>
    %convert_element_type3A_411 = arith.fptosi %mul3A_410 : vector<1x512xf32> to vector<1x512xi32>
    %jit3A_412 = arith.constant 0 : i32
    %jit3A_413 = arith.constant 127 : i32
    %max3A_414 = vector.broadcast %jit3A_412 : i32 to vector<1x512xi32>
    %max3A_415 = arith.maxsi %max3A_414, %convert_element_type3A_411 : vector<1x512xi32>
    %min3A_416 = vector.broadcast %jit3A_413 : i32 to vector<1x512xi32>
    %min3A_417 = arith.minsi %min3A_416, %max3A_415 : vector<1x512xi32>
    %jit3A_418 = arith.constant -5.000000e-01 : f32
    %jit3A_419 = arith.constant 5.000000e-01 : f32
    %max3A_420 = vector.broadcast %jit3A_418 : f32 to vector<1x512xf32>
    %max3A_421 = arith.maximumf %max3A_420, %get3A_16 : vector<1x512xf32>
    %min3A_422 = vector.broadcast %jit3A_419 : f32 to vector<1x512xf32>
    %min3A_423 = arith.minimumf %min3A_422, %max3A_421 : vector<1x512xf32>
    %sub3A_424 = arith.constant -5.000000e-01 : f32
    %sub3A_425 = vector.broadcast %sub3A_424 : f32 to vector<1x512xf32>
    %sub3A_426 = arith.subf %min3A_423, %sub3A_425 : vector<1x512xf32>
    %div3A_427 = arith.constant 1.000000e+00 : f32
    %div3A_428 = vector.broadcast %div3A_427 : f32 to vector<1x512xf32>
    %div3A_429 = arith.divf %sub3A_426, %div3A_428 : vector<1x512xf32>
    %mul3A_430 = arith.constant 1.280000e+02 : f32
    %mul3A_431 = vector.broadcast %mul3A_430 : f32 to vector<1x512xf32>
    %mul3A_432 = arith.mulf %div3A_429, %mul3A_431 : vector<1x512xf32>
    %convert_element_type3A_433 = arith.fptosi %mul3A_432 : vector<1x512xf32> to vector<1x512xi32>
    %jit3A_434 = arith.constant 0 : i32
    %jit3A_435 = arith.constant 127 : i32
    %max3A_436 = vector.broadcast %jit3A_434 : i32 to vector<1x512xi32>
    %max3A_437 = arith.maxsi %max3A_436, %convert_element_type3A_433 : vector<1x512xi32>
    %min3A_438 = vector.broadcast %jit3A_435 : i32 to vector<1x512xi32>
    %min3A_439 = arith.minsi %min3A_438, %max3A_437 : vector<1x512xi32>
    %jit3A_440 = arith.constant -5.000000e-01 : f32
    %jit3A_441 = arith.constant 5.000000e-01 : f32
    %max3A_442 = vector.broadcast %jit3A_440 : f32 to vector<1x512xf32>
    %max3A_443 = arith.maximumf %max3A_442, %get3A_19 : vector<1x512xf32>
    %min3A_444 = vector.broadcast %jit3A_441 : f32 to vector<1x512xf32>
    %min3A_445 = arith.minimumf %min3A_444, %max3A_443 : vector<1x512xf32>
    %sub3A_446 = arith.constant -5.000000e-01 : f32
    %sub3A_447 = vector.broadcast %sub3A_446 : f32 to vector<1x512xf32>
    %sub3A_448 = arith.subf %min3A_445, %sub3A_447 : vector<1x512xf32>
    %div3A_449 = arith.constant 1.000000e+00 : f32
    %div3A_450 = vector.broadcast %div3A_449 : f32 to vector<1x512xf32>
    %div3A_451 = arith.divf %sub3A_448, %div3A_450 : vector<1x512xf32>
    %mul3A_452 = arith.constant 1.280000e+02 : f32
    %mul3A_453 = vector.broadcast %mul3A_452 : f32 to vector<1x512xf32>
    %mul3A_454 = arith.mulf %div3A_451, %mul3A_453 : vector<1x512xf32>
    %convert_element_type3A_455 = arith.fptosi %mul3A_454 : vector<1x512xf32> to vector<1x512xi32>
    %jit3A_456 = arith.constant 0 : i32
    %jit3A_457 = arith.constant 127 : i32
    %max3A_458 = vector.broadcast %jit3A_456 : i32 to vector<1x512xi32>
    %max3A_459 = arith.maxsi %max3A_458, %convert_element_type3A_455 : vector<1x512xi32>
    %min3A_460 = vector.broadcast %jit3A_457 : i32 to vector<1x512xi32>
    %min3A_461 = arith.minsi %min3A_460, %max3A_459 : vector<1x512xi32>
    %jit3A_462 = arith.constant -5.000000e-01 : f32
    %jit3A_463 = arith.constant 5.000000e-01 : f32
    %max3A_464 = vector.broadcast %jit3A_462 : f32 to vector<1x512xf32>
    %max3A_465 = arith.maximumf %max3A_464, %get3A_22 : vector<1x512xf32>
    %min3A_466 = vector.broadcast %jit3A_463 : f32 to vector<1x512xf32>
    %min3A_467 = arith.minimumf %min3A_466, %max3A_465 : vector<1x512xf32>
    %sub3A_468 = arith.constant -5.000000e-01 : f32
    %sub3A_469 = vector.broadcast %sub3A_468 : f32 to vector<1x512xf32>
    %sub3A_470 = arith.subf %min3A_467, %sub3A_469 : vector<1x512xf32>
    %div3A_471 = arith.constant 1.000000e+00 : f32
    %div3A_472 = vector.broadcast %div3A_471 : f32 to vector<1x512xf32>
    %div3A_473 = arith.divf %sub3A_470, %div3A_472 : vector<1x512xf32>
    %mul3A_474 = arith.constant 1.280000e+02 : f32
    %mul3A_475 = vector.broadcast %mul3A_474 : f32 to vector<1x512xf32>
    %mul3A_476 = arith.mulf %div3A_473, %mul3A_475 : vector<1x512xf32>
    %convert_element_type3A_477 = arith.fptosi %mul3A_476 : vector<1x512xf32> to vector<1x512xi32>
    %jit3A_478 = arith.constant 0 : i32
    %jit3A_479 = arith.constant 127 : i32
    %max3A_480 = vector.broadcast %jit3A_478 : i32 to vector<1x512xi32>
    %max3A_481 = arith.maxsi %max3A_480, %convert_element_type3A_477 : vector<1x512xi32>
    %min3A_482 = vector.broadcast %jit3A_479 : i32 to vector<1x512xi32>
    %min3A_483 = arith.minsi %min3A_482, %max3A_481 : vector<1x512xi32>
    %jit3A_484 = arith.constant -5.000000e-01 : f32
    %jit3A_485 = arith.constant 5.000000e-01 : f32
    %max3A_486 = vector.broadcast %jit3A_484 : f32 to vector<1x512xf32>
    %max3A_487 = arith.maximumf %max3A_486, %get3A_25 : vector<1x512xf32>
    %min3A_488 = vector.broadcast %jit3A_485 : f32 to vector<1x512xf32>
    %min3A_489 = arith.minimumf %min3A_488, %max3A_487 : vector<1x512xf32>
    %sub3A_490 = arith.constant -5.000000e-01 : f32
    %sub3A_491 = vector.broadcast %sub3A_490 : f32 to vector<1x512xf32>
    %sub3A_492 = arith.subf %min3A_489, %sub3A_491 : vector<1x512xf32>
    %div3A_493 = arith.constant 1.000000e+00 : f32
    %div3A_494 = vector.broadcast %div3A_493 : f32 to vector<1x512xf32>
    %div3A_495 = arith.divf %sub3A_492, %div3A_494 : vector<1x512xf32>
    %mul3A_496 = arith.constant 1.280000e+02 : f32
    %mul3A_497 = vector.broadcast %mul3A_496 : f32 to vector<1x512xf32>
    %mul3A_498 = arith.mulf %div3A_495, %mul3A_497 : vector<1x512xf32>
    %convert_element_type3A_499 = arith.fptosi %mul3A_498 : vector<1x512xf32> to vector<1x512xi32>
    %jit3A_500 = arith.constant 0 : i32
    %jit3A_501 = arith.constant 127 : i32
    %max3A_502 = vector.broadcast %jit3A_500 : i32 to vector<1x512xi32>
    %max3A_503 = arith.maxsi %max3A_502, %convert_element_type3A_499 : vector<1x512xi32>
    %min3A_504 = vector.broadcast %jit3A_501 : i32 to vector<1x512xi32>
    %min3A_505 = arith.minsi %min3A_504, %max3A_503 : vector<1x512xi32>
    %jit3A_506 = arith.constant 0.000000e+00 : f32
    %jit3A_507 = arith.constant 3.14159274 : f32
    %max3A_508 = vector.broadcast %jit3A_506 : f32 to vector<1x512xf32>
    %max3A_509 = arith.maximumf %max3A_508, %select_n3A : vector<1x512xf32>
    %min3A_510 = vector.broadcast %jit3A_507 : f32 to vector<1x512xf32>
    %min3A_511 = arith.minimumf %min3A_510, %max3A_509 : vector<1x512xf32>
    %sub3A_512 = arith.constant 0.000000e+00 : f32
    %sub3A_513 = vector.broadcast %sub3A_512 : f32 to vector<1x512xf32>
    %sub3A_514 = arith.subf %min3A_511, %sub3A_513 : vector<1x512xf32>
    %div3A_515 = arith.constant 3.14159274 : f32
    %div3A_516 = vector.broadcast %div3A_515 : f32 to vector<1x512xf32>
    %div3A_517 = arith.divf %sub3A_514, %div3A_516 : vector<1x512xf32>
    %mul3A_518 = arith.constant 1.280000e+02 : f32
    %mul3A_519 = vector.broadcast %mul3A_518 : f32 to vector<1x512xf32>
    %mul3A_520 = arith.mulf %div3A_517, %mul3A_519 : vector<1x512xf32>
    %convert_element_type3A_521 = arith.fptosi %mul3A_520 : vector<1x512xf32> to vector<1x512xi32>
    %jit3A_522 = arith.constant 0 : i32
    %jit3A_523 = arith.constant 127 : i32
    %max3A_524 = vector.broadcast %jit3A_522 : i32 to vector<1x512xi32>
    %max3A_525 = arith.maxsi %max3A_524, %convert_element_type3A_521 : vector<1x512xi32>
    %min3A_526 = vector.broadcast %jit3A_523 : i32 to vector<1x512xi32>
    %min3A_527 = arith.minsi %min3A_526, %max3A_525 : vector<1x512xi32>
    %jit3A_528 = arith.constant 0.000000e+00 : f32
    %jit3A_529 = arith.constant 3.14159274 : f32
    %max3A_530 = vector.broadcast %jit3A_528 : f32 to vector<1x512xf32>
    %max3A_531 = arith.maximumf %max3A_530, %select_n3A_161 : vector<1x512xf32>
    %min3A_532 = vector.broadcast %jit3A_529 : f32 to vector<1x512xf32>
    %min3A_533 = arith.minimumf %min3A_532, %max3A_531 : vector<1x512xf32>
    %sub3A_534 = arith.constant 0.000000e+00 : f32
    %sub3A_535 = vector.broadcast %sub3A_534 : f32 to vector<1x512xf32>
    %sub3A_536 = arith.subf %min3A_533, %sub3A_535 : vector<1x512xf32>
    %div3A_537 = arith.constant 3.14159274 : f32
    %div3A_538 = vector.broadcast %div3A_537 : f32 to vector<1x512xf32>
    %div3A_539 = arith.divf %sub3A_536, %div3A_538 : vector<1x512xf32>
    %mul3A_540 = arith.constant 1.280000e+02 : f32
    %mul3A_541 = vector.broadcast %mul3A_540 : f32 to vector<1x512xf32>
    %mul3A_542 = arith.mulf %div3A_539, %mul3A_541 : vector<1x512xf32>
    %convert_element_type3A_543 = arith.fptosi %mul3A_542 : vector<1x512xf32> to vector<1x512xi32>
    %jit3A_544 = arith.constant 0 : i32
    %jit3A_545 = arith.constant 127 : i32
    %max3A_546 = vector.broadcast %jit3A_544 : i32 to vector<1x512xi32>
    %max3A_547 = arith.maxsi %max3A_546, %convert_element_type3A_543 : vector<1x512xi32>
    %min3A_548 = vector.broadcast %jit3A_545 : i32 to vector<1x512xi32>
    %min3A_549 = arith.minsi %min3A_548, %max3A_547 : vector<1x512xi32>
    %jit3A_550 = arith.constant 0.000000e+00 : f32
    %jit3A_551 = arith.constant 3.14159274 : f32
    %max3A_552 = vector.broadcast %jit3A_550 : f32 to vector<1x512xf32>
    %max3A_553 = arith.maximumf %max3A_552, %select_n3A_220 : vector<1x512xf32>
    %min3A_554 = vector.broadcast %jit3A_551 : f32 to vector<1x512xf32>
    %min3A_555 = arith.minimumf %min3A_554, %max3A_553 : vector<1x512xf32>
    %sub3A_556 = arith.constant 0.000000e+00 : f32
    %sub3A_557 = vector.broadcast %sub3A_556 : f32 to vector<1x512xf32>
    %sub3A_558 = arith.subf %min3A_555, %sub3A_557 : vector<1x512xf32>
    %div3A_559 = arith.constant 3.14159274 : f32
    %div3A_560 = vector.broadcast %div3A_559 : f32 to vector<1x512xf32>
    %div3A_561 = arith.divf %sub3A_558, %div3A_560 : vector<1x512xf32>
    %mul3A_562 = arith.constant 1.280000e+02 : f32
    %mul3A_563 = vector.broadcast %mul3A_562 : f32 to vector<1x512xf32>
    %mul3A_564 = arith.mulf %div3A_561, %mul3A_563 : vector<1x512xf32>
    %convert_element_type3A_565 = arith.fptosi %mul3A_564 : vector<1x512xf32> to vector<1x512xi32>
    %jit3A_566 = arith.constant 0 : i32
    %jit3A_567 = arith.constant 127 : i32
    %max3A_568 = vector.broadcast %jit3A_566 : i32 to vector<1x512xi32>
    %max3A_569 = arith.maxsi %max3A_568, %convert_element_type3A_565 : vector<1x512xi32>
    %min3A_570 = vector.broadcast %jit3A_567 : i32 to vector<1x512xi32>
    %min3A_571 = arith.minsi %min3A_570, %max3A_569 : vector<1x512xi32>
    %iota3A = tpu.iota {dimensions = array<i32: 0>} : vector<128x512xi32>
    %eq3A_572 = vector.broadcast %min3A_241 : vector<1x512xi32> to vector<128x512xi32>
    %eq3A_573 = arith.cmpi eq, %iota3A, %eq3A_572 : vector<128x512xi32>
    %convert_element_type3A_574 = arith.extui %eq3A_573 : vector<128x512xi1> to vector<128x512xi32>
    %convert_element_type3A_575 = arith.sitofp %convert_element_type3A_574 : vector<128x512xi32> to vector<128x512xf32>
    %convert_element_type3A_576 = arith.truncf %convert_element_type3A_575 : vector<128x512xf32> to vector<128x512xbf16>
    %eq3A_577 = vector.broadcast %min3A_263 : vector<1x512xi32> to vector<128x512xi32>
    %eq3A_578 = arith.cmpi eq, %iota3A, %eq3A_577 : vector<128x512xi32>
    %convert_element_type3A_579 = arith.extui %eq3A_578 : vector<128x512xi1> to vector<128x512xi32>
    %convert_element_type3A_580 = arith.sitofp %convert_element_type3A_579 : vector<128x512xi32> to vector<128x512xf32>
    %convert_element_type3A_581 = arith.truncf %convert_element_type3A_580 : vector<128x512xf32> to vector<128x512xbf16>
    %eq3A_582 = vector.broadcast %min3A_285 : vector<1x512xi32> to vector<128x512xi32>
    %eq3A_583 = arith.cmpi eq, %iota3A, %eq3A_582 : vector<128x512xi32>
    %convert_element_type3A_584 = arith.extui %eq3A_583 : vector<128x512xi1> to vector<128x512xi32>
    %convert_element_type3A_585 = arith.sitofp %convert_element_type3A_584 : vector<128x512xi32> to vector<128x512xf32>
    %convert_element_type3A_586 = arith.truncf %convert_element_type3A_585 : vector<128x512xf32> to vector<128x512xbf16>
    %eq3A_587 = vector.broadcast %min3A_307 : vector<1x512xi32> to vector<128x512xi32>
    %eq3A_588 = arith.cmpi eq, %iota3A, %eq3A_587 : vector<128x512xi32>
    %convert_element_type3A_589 = arith.extui %eq3A_588 : vector<128x512xi1> to vector<128x512xi32>
    %convert_element_type3A_590 = arith.sitofp %convert_element_type3A_589 : vector<128x512xi32> to vector<128x512xf32>
    %convert_element_type3A_591 = arith.truncf %convert_element_type3A_590 : vector<128x512xf32> to vector<128x512xbf16>
    %eq3A_592 = vector.broadcast %min3A_329 : vector<1x512xi32> to vector<128x512xi32>
    %eq3A_593 = arith.cmpi eq, %iota3A, %eq3A_592 : vector<128x512xi32>
    %convert_element_type3A_594 = arith.extui %eq3A_593 : vector<128x512xi1> to vector<128x512xi32>
    %convert_element_type3A_595 = arith.sitofp %convert_element_type3A_594 : vector<128x512xi32> to vector<128x512xf32>
    %convert_element_type3A_596 = arith.truncf %convert_element_type3A_595 : vector<128x512xf32> to vector<128x512xbf16>
    %eq3A_597 = vector.broadcast %min3A_351 : vector<1x512xi32> to vector<128x512xi32>
    %eq3A_598 = arith.cmpi eq, %iota3A, %eq3A_597 : vector<128x512xi32>
    %convert_element_type3A_599 = arith.extui %eq3A_598 : vector<128x512xi1> to vector<128x512xi32>
    %convert_element_type3A_600 = arith.sitofp %convert_element_type3A_599 : vector<128x512xi32> to vector<128x512xf32>
    %convert_element_type3A_601 = arith.truncf %convert_element_type3A_600 : vector<128x512xf32> to vector<128x512xbf16>
    %eq3A_602 = vector.broadcast %min3A_373 : vector<1x512xi32> to vector<128x512xi32>
    %eq3A_603 = arith.cmpi eq, %iota3A, %eq3A_602 : vector<128x512xi32>
    %convert_element_type3A_604 = arith.extui %eq3A_603 : vector<128x512xi1> to vector<128x512xi32>
    %convert_element_type3A_605 = arith.sitofp %convert_element_type3A_604 : vector<128x512xi32> to vector<128x512xf32>
    %convert_element_type3A_606 = arith.truncf %convert_element_type3A_605 : vector<128x512xf32> to vector<128x512xbf16>
    %eq3A_607 = vector.broadcast %min3A_395 : vector<1x512xi32> to vector<128x512xi32>
    %eq3A_608 = arith.cmpi eq, %iota3A, %eq3A_607 : vector<128x512xi32>
    %convert_element_type3A_609 = arith.extui %eq3A_608 : vector<128x512xi1> to vector<128x512xi32>
    %convert_element_type3A_610 = arith.sitofp %convert_element_type3A_609 : vector<128x512xi32> to vector<128x512xf32>
    %convert_element_type3A_611 = arith.truncf %convert_element_type3A_610 : vector<128x512xf32> to vector<128x512xbf16>
    %eq3A_612 = vector.broadcast %min3A_417 : vector<1x512xi32> to vector<128x512xi32>
    %eq3A_613 = arith.cmpi eq, %iota3A, %eq3A_612 : vector<128x512xi32>
    %convert_element_type3A_614 = arith.extui %eq3A_613 : vector<128x512xi1> to vector<128x512xi32>
    %convert_element_type3A_615 = arith.sitofp %convert_element_type3A_614 : vector<128x512xi32> to vector<128x512xf32>
    %convert_element_type3A_616 = arith.truncf %convert_element_type3A_615 : vector<128x512xf32> to vector<128x512xbf16>
    %eq3A_617 = vector.broadcast %min3A_439 : vector<1x512xi32> to vector<128x512xi32>
    %eq3A_618 = arith.cmpi eq, %iota3A, %eq3A_617 : vector<128x512xi32>
    %convert_element_type3A_619 = arith.extui %eq3A_618 : vector<128x512xi1> to vector<128x512xi32>
    %convert_element_type3A_620 = arith.sitofp %convert_element_type3A_619 : vector<128x512xi32> to vector<128x512xf32>
    %convert_element_type3A_621 = arith.truncf %convert_element_type3A_620 : vector<128x512xf32> to vector<128x512xbf16>
    %eq3A_622 = vector.broadcast %min3A_461 : vector<1x512xi32> to vector<128x512xi32>
    %eq3A_623 = arith.cmpi eq, %iota3A, %eq3A_622 : vector<128x512xi32>
    %convert_element_type3A_624 = arith.extui %eq3A_623 : vector<128x512xi1> to vector<128x512xi32>
    %convert_element_type3A_625 = arith.sitofp %convert_element_type3A_624 : vector<128x512xi32> to vector<128x512xf32>
    %convert_element_type3A_626 = arith.truncf %convert_element_type3A_625 : vector<128x512xf32> to vector<128x512xbf16>
    %eq3A_627 = vector.broadcast %min3A_483 : vector<1x512xi32> to vector<128x512xi32>
    %eq3A_628 = arith.cmpi eq, %iota3A, %eq3A_627 : vector<128x512xi32>
    %convert_element_type3A_629 = arith.extui %eq3A_628 : vector<128x512xi1> to vector<128x512xi32>
    %convert_element_type3A_630 = arith.sitofp %convert_element_type3A_629 : vector<128x512xi32> to vector<128x512xf32>
    %convert_element_type3A_631 = arith.truncf %convert_element_type3A_630 : vector<128x512xf32> to vector<128x512xbf16>
    %eq3A_632 = vector.broadcast %min3A_505 : vector<1x512xi32> to vector<128x512xi32>
    %eq3A_633 = arith.cmpi eq, %iota3A, %eq3A_632 : vector<128x512xi32>
    %convert_element_type3A_634 = arith.extui %eq3A_633 : vector<128x512xi1> to vector<128x512xi32>
    %convert_element_type3A_635 = arith.sitofp %convert_element_type3A_634 : vector<128x512xi32> to vector<128x512xf32>
    %convert_element_type3A_636 = arith.truncf %convert_element_type3A_635 : vector<128x512xf32> to vector<128x512xbf16>
    %eq3A_637 = vector.broadcast %min3A_527 : vector<1x512xi32> to vector<128x512xi32>
    %eq3A_638 = arith.cmpi eq, %iota3A, %eq3A_637 : vector<128x512xi32>
    %convert_element_type3A_639 = arith.extui %eq3A_638 : vector<128x512xi1> to vector<128x512xi32>
    %convert_element_type3A_640 = arith.sitofp %convert_element_type3A_639 : vector<128x512xi32> to vector<128x512xf32>
    %convert_element_type3A_641 = arith.truncf %convert_element_type3A_640 : vector<128x512xf32> to vector<128x512xbf16>
    %eq3A_642 = vector.broadcast %min3A_549 : vector<1x512xi32> to vector<128x512xi32>
    %eq3A_643 = arith.cmpi eq, %iota3A, %eq3A_642 : vector<128x512xi32>
    %convert_element_type3A_644 = arith.extui %eq3A_643 : vector<128x512xi1> to vector<128x512xi32>
    %convert_element_type3A_645 = arith.sitofp %convert_element_type3A_644 : vector<128x512xi32> to vector<128x512xf32>
    %convert_element_type3A_646 = arith.truncf %convert_element_type3A_645 : vector<128x512xf32> to vector<128x512xbf16>
    %eq3A_647 = vector.broadcast %min3A_571 : vector<1x512xi32> to vector<128x512xi32>
    %eq3A_648 = arith.cmpi eq, %iota3A, %eq3A_647 : vector<128x512xi32>
    %convert_element_type3A_649 = arith.extui %eq3A_648 : vector<128x512xi1> to vector<128x512xi32>
    %convert_element_type3A_650 = arith.sitofp %convert_element_type3A_649 : vector<128x512xi32> to vector<128x512xf32>
    %convert_element_type3A_651 = arith.truncf %convert_element_type3A_650 : vector<128x512xf32> to vector<128x512xbf16>
    %concatenate3A = tpu.concatenate %convert_element_type3A_576, %convert_element_type3A_581, %convert_element_type3A_586, %convert_element_type3A_591, %convert_element_type3A_596, %convert_element_type3A_601, %convert_element_type3A_606, %convert_element_type3A_611, %convert_element_type3A_616, %convert_element_type3A_621, %convert_element_type3A_626, %convert_element_type3A_631, %convert_element_type3A_636, %convert_element_type3A_641, %convert_element_type3A_646, %convert_element_type3A_651 in 0 : vector<128x512xbf16>, vector<128x512xbf16>, vector<128x512xbf16>, vector<128x512xbf16>, vector<128x512xbf16>, vector<128x512xbf16>, vector<128x512xbf16>, vector<128x512xbf16>, vector<128x512xbf16>, vector<128x512xbf16>, vector<128x512xbf16>, vector<128x512xbf16>, vector<128x512xbf16>, vector<128x512xbf16>, vector<128x512xbf16>, vector<128x512xbf16> -> vector<2048x512xbf16>
    %get3A_652 = arith.constant 0 : index
    %get3A_653 = arith.constant 0 : index
    %get3A_654 = vector.load %arg2[%get3A_652, %get3A_653] : memref<2048x512xbf16, #tpu.memory_space<vmem>>, vector<2048x512xbf16>
    %dot_general3A = arith.constant dense<0.000000e+00> : vector<512x512xf32>
    %dot_general3A_655 = tpu.matmul %concatenate3A, %get3A_654, %dot_general3A {dimension_numbers = #tpu.dot_dimension_numbers<[0], [0], [1], [1], [0, 1, 1, 1], [], []>, transpose_lhs_hint = false} : vector<2048x512xbf16>, vector<2048x512xbf16>, vector<512x512xf32> -> vector<512x512xf32>
    %get3A_656 = arith.constant 0 : index
    %get3A_657 = arith.constant 0 : index
    %get3A_658 = vector.load %arg3[%get3A_656, %get3A_657] : memref<8x512xf32, #tpu.memory_space<vmem>>, vector<1x512xf32>
    %add3A_659 = vector.broadcast %get3A_658 : vector<1x512xf32> to vector<512x512xf32>
    %add3A_660 = arith.addf %dot_general3A_655, %add3A_659 : vector<512x512xf32>
    %mul3A_661 = arith.constant 0.707106769 : f32
    %mul3A_662 = vector.broadcast %mul3A_661 : f32 to vector<512x512xf32>
    %mul3A_663 = arith.mulf %add3A_660, %mul3A_662 : vector<512x512xf32>
    %mul3A_664 = arith.constant 5.000000e-01 : f32
    %mul3A_665 = vector.broadcast %mul3A_664 : f32 to vector<512x512xf32>
    %mul3A_666 = arith.mulf %mul3A_665, %add3A_660 : vector<512x512xf32>
    %erf3A = math.erf %mul3A_663 : vector<512x512xf32>
    %add3A_667 = arith.constant 1.000000e+00 : f32
    %add3A_668 = vector.broadcast %add3A_667 : f32 to vector<512x512xf32>
    %add3A_669 = arith.addf %add3A_668, %erf3A : vector<512x512xf32>
    %mul3A_670 = arith.mulf %mul3A_666, %add3A_669 : vector<512x512xf32>
    %swap3A = arith.constant 0 : index
    %swap3A_671 = arith.constant 0 : index
    %swap3A_672 = vector.load %arg4[%swap3A, %swap3A_671] : memref<512x512xf32, #tpu.memory_space<vmem>>, vector<512x512xf32>
    tpu.vector_store %arg4[%swap3A, %swap3A_671], %mul3A_670 {strides = array<i32>} : memref<512x512xf32, #tpu.memory_space<vmem>>, vector<512x512xf32>,
    return
  }
  func.func @transform_0(%arg0: i32) -> (i32, i32) {
    %c0_i32 = arith.constant 0 : i32
    %c0_i32_0 = arith.constant 0 : i32
    return %c0_i32, %arg0 : i32, i32
  }
  func.func @transform_1(%arg0: i32) -> (i32, i32) {
    %c0_i32 = arith.constant 0 : i32
    %c0_i32_0 = arith.constant 0 : i32
    %c0_i32_1 = arith.constant 0 : i32
    return %c0_i32, %c0_i32_0 : i32, i32
  }
  func.func @transform_2(%arg0: i32) -> (i32, i32) {
    %c0_i32 = arith.constant 0 : i32
    %c0_i32_0 = arith.constant 0 : i32
    %c0_i32_1 = arith.constant 0 : i32
    return %c0_i32, %c0_i32_0 : i32, i32
  }
  func.func @transform_3(%arg0: i32) -> (i32, i32) {
    %c0_i32 = arith.constant 0 : i32
    %c0_i32_0 = arith.constant 0 : i32
    return %arg0, %c0_i32 : i32, i32
  }
}

</mosaic_0001>

<sc_bundles>
// kernel: kernel.5.cloned.1.call-start
scs
__scs_entry_jumppad:
0x0: {  	(pc) =	sbr.rel $0x88, $3  }
0x1: {  	(tag) =	ssettag $0x0;
	lr =	simm.s32 $0x1  }
0x2: {  	[smem:$0x3F98] =	sst lr;
	_ =	strace $0xD0000000  }
0x3: {  	_ = 	snop  }
0x4: {  	_ = 	snop  }
0x5: {  	_ = 	snop  }
0x6: {  	_ = 	snop  }
0x7: {  	_ = 	snop  }
__scs_overlays_trampoline_lowered:
0x8: {  	[smem:$0x3FA7] =	sst s0  }
0x9: {  	[smem:$0x3FA8] =	sst s1  }
0xa: {  	[smem:$0x3FA9] =	sst s2  }
0xb: {  	[smem:$0x3FAA] =	sst s3  }
0xc: {  	[smem:$0x3FAB] =	sst s4  }
0xd: {  	[smem:$0x3FAC] =	sst s5  }
0xe: {  	[smem:$0x3FAD] =	sst s6  }
0xf: {  	[smem:$0x3FAE] =	sst s7  }
0x10: {  	[smem:$0x3FAF] =	sst s8  }
0x11: {  	[smem:$0x3FB0] =	sst s9;
	s0 =	simm.s32 @!p0 $0x0  }
0x12: {  	s1 =	sld [smem:$0x3F96];
	s0 =	simm.s32 @p0 $0x1  }
0x13: {  	[smem:$0x3FB1] =	sst s0;
	s0 =	simm.s32 @!p1 $0x0  }
0x14: {  	s2 =	sld [smem:$0x3F95];
	s0 =	simm.s32 @p1 $0x1  }
0x15: {  	[smem:$0x3FB2] =	sst s0;
	s0 =	simm.s32 @!p2 $0x0  }
0x16: {  	s3 =	sld [smem:$0x3FDB];
	s0 =	simm.s32 @p2 $0x1  }
0x17: {  	s4 =	simm.s32 $0x1BF5;
	[smem:$0x3FB4] =	sst s0  }
0x18: {  	s0 =	sld [smem:$0x3F97];
	_ =	swait.ge [sflag:s4], $0x0  }
0x19: {  	s7 =	sld [smem:$0x3F98]  }
0x1a: {  	s8 =	sadd.s32 $0xFFFFE003, lr  }
0x1b: {  	s9 =	sadd.s32 $0xFFFFFEF7, lr;
	s5 =	simm.s32 $0xFFFFFFFF;
	p2 =	slt.u32 s8, $0xFFFFF086  }
0x1c: {  	p1 =	slt.u32 s9, $0xF7A;
	s5 =	simm.s32 @!p2 $0x0  }
0x1d: {  	s5 =	simm.s32 @p1 $0x1;
	p0 =	seq.s32 s7, s2  }
0x1e: {  	s7 =	smul.u32 @!p0 $0xF7A, s2;
	p2 =	seq.s32 @!p0 s5, $0x0  }
0x1f: {  	s9 =	smul.u32 $0xF7A, s1;
	s8 =	simm.s32 @!p0 $0x1BF5;
	p2 =	por !p2, p0  }
0x20: {  	[sflag:s8] =	ssyncset.s32 @!p0 $0xFFFFF086;
	s6 =	sadd.s32 @!p0 s3, s7;
	s7 =	simm.s32 @!p0 $0x108  }
0x21: {  	s3 =	sadd.s32 s3, s9;
	s6 =	sadd.s32 @!p0 $0x88, s6;
	s7 =	simm.s32 @p2 $0x1082  }
0x22: {  	[simem:s7], [sflag:s8] =	dma.local @!p0 [hbm:s6], $0xF7A  }
0x23: {  	s9 =	sor.u32 $0xD0000000, s2;
	s6 =	simm.s32 $0x108;
	_ =	swait.ge @!p0 [sflag:s8], $0x0  }
0x24: {  	s3 =	sadd.s32 $0x88, s3;
	s6 =	simm.s32 @!p1 $0x1082;
	[sflag:s4] =	ssyncset.s32 $0xFFFFF086  }
0x25: {  	[simem:s6], [sflag:s4] =	dma.local [hbm:s3], $0xF7A  }
0x26: {  	[smem:$0x3F98] =	sst s1;
	(tag) =	ssettag s2;
	_ =	strace s9  }
0x27: {  	s1 =	sld [smem:$0x3FA8]  }
0x28: {  	s2 =	sld [smem:$0x3FA9]  }
0x29: {  	s4 =	sld [smem:$0x3FAB]  }
0x2a: {  	p0 =	seq.s32 s5, $0x0;
	s5 =	sld [smem:$0x3FAC]  }
0x2b: {  	s6 =	sld [smem:$0x3FAD]  }
0x2c: {  	s7 =	sld [smem:$0x3FAE]  }
0x2d: {  	s3 =	simm.s32 $0x108;
	s8 =	sld [smem:$0x3FAF]  }
0x2e: {  	s3 =	simm.s32 @!p0 $0x1082;
	s9 =	sld [smem:$0x3FB0]  }
0x2f: {  	lr =	sadd.s32 s0, s3;
	s0 =	sld [smem:$0x3FA7]  }
0x30: {  	s3 =	sld [smem:$0x3FAA]  }
0x31: {  	[smem:$0x3FB3] =	sst s10  }
0x32: {  	s10 =	sld [smem:$0x3FB1];
	_ =	sdelay $0x3  }
0x33: {  	p0 =	seq.s32 s10, $0x1;
	s10 =	sld [smem:$0x3FB3];
	_ =	sdelay $0x3  }
0x34: {  	[smem:$0x3FB3] =	sst s10  }
0x35: {  	s10 =	sld [smem:$0x3FB2];
	_ =	sdelay $0x3  }
0x36: {  	p1 =	seq.s32 s10, $0x1;
	s10 =	sld [smem:$0x3FB3];
	_ =	sdelay $0x3  }
0x37: {  	[smem:$0x3FB3] =	sst s10  }
0x38: {  	s10 =	sld [smem:$0x3FB4]  }
0x39: {  	_ = 	snop;
	(pc) =	sbr.ind lr, $3  }
0x3a: {  	_ = 	snop  }
0x3b: {  	_ = 	snop  }
0x3c: {  	p2 =	seq.s32 s10, $0x1;
	s10 =	sld [smem:$0x3FB3]  }
0x3d: {  	_ =	shalt  }
0x3e: {  	_ =	shalt  }
0x3f: {  	_ =	shalt  }
0x40: {  	_ =	shalt  }
0x41: {  	_ =	shalt  }
0x42: {  	_ =	shalt  }
0x43: {  	_ =	shalt  }
0x44: {  	_ =	shalt  }
0x45: {  	_ =	shalt  }
0x46: {  	_ =	shalt  }
0x47: {  	_ =	shalt  }
0x48: {  	_ =	shalt  }
0x49: {  	_ =	shalt  }
0x4a: {  	_ =	shalt  }
0x4b: {  	_ =	shalt  }
0x4c: {  	_ =	shalt  }
0x4d: {  	_ =	shalt  }
0x4e: {  	_ =	shalt  }
0x4f: {  	_ =	shalt  }
0x50: {  	_ =	shalt  }
0x51: {  	_ =	shalt  }
0x52: {  	_ =	shalt  }
0x53: {  	_ =	shalt  }
0x54: {  	_ =	shalt  }
0x55: {  	_ =	shalt  }
0x56: {  	_ =	shalt  }
0x57: {  	_ =	shalt  }
0x58: {  	_ =	shalt  }
0x59: {  	_ =	shalt  }
0x5a: {  	_ =	shalt  }
0x5b: {  	_ =	shalt  }
0x5c: {  	_ =	shalt  }
0x5d: {  	_ =	shalt  }
0x5e: {  	_ =	shalt  }
0x5f: {  	_ =	shalt  }
0x60: {  	_ =	shalt  }
0x61: {  	_ =	shalt  }
0x62: {  	_ =	shalt  }
0x63: {  	_ =	shalt  }
0x64: {  	_ =	shalt  }
0x65: {  	_ =	shalt  }
0x66: {  	_ =	shalt  }
0x67: {  	_ =	shalt  }
0x68: {  	_ =	shalt  }
0x69: {  	_ =	shalt  }
0x6a: {  	_ =	shalt  }
0x6b: {  	_ =	shalt  }
0x6c: {  	_ =	shalt  }
0x6d: {  	_ =	shalt  }
0x6e: {  	_ =	shalt  }
0x6f: {  	_ =	shalt  }
0x70: {  	_ =	shalt  }
0x71: {  	_ =	shalt  }
0x72: {  	_ =	shalt  }
0x73: {  	_ =	shalt  }
0x74: {  	_ =	shalt  }
0x75: {  	_ =	shalt  }
0x76: {  	_ =	shalt  }
0x77: {  	_ =	shalt  }
0x78: {  	_ =	shalt  }
0x79: {  	_ =	shalt  }
0x7a: {  	_ =	shalt  }
0x7b: {  	_ =	shalt  }
0x7c: {  	_ =	shalt  }
0x7d: {  	_ =	shalt  }
0x7e: {  	_ =	shalt  }
0x7f: {  	_ =	shalt  }
0x80: {  	_ =	shalt  }
0x81: {  	_ =	shalt  }
0x82: {  	_ =	shalt  }
0x83: {  	_ =	shalt  }
0x84: {  	_ =	shalt  }
0x85: {  	_ =	shalt  }
0x86: {  	_ =	shalt  }
0x87: {  	_ =	shalt  }
.Lfunc_end0:
.L_simem_size_0:
called_computation_lowered:
.L_overlay_start_0:
0x88: {  	s2 =	sld [smem:$0x3FD9]  }
0x89: {  	s3 =	sld [smem:$0x3FFE];
	_ =	sdelay $0x1  }
0x8a: {  	s1 =	srdreg.scid  }
0x8b: {  	s0 =	sand.u32 $0x1, s1  }
0x8c: {  	s17 =	sshll.u32 s0, $0xA;
	s2 =	sadd.s32 s3, s2  }
0x8d: {  	s2 =	sadd.s32 s2, s17  }
0x8e: {  	[smem:$0x3FBF] =	sst s2  }
0x8f: {  	_ = 	snop  }
0x90: {  	s2 =	sld [smem:$0x3FD0];
	(tm) =	ssettm $0x1  }
0x91: {  	s18 =	sld [smem:$0x3FFB];
	_ =	sdelay $0x3  }
0x92: {  	_ =	strace s18  }
0x93: {  	s3 =	sld [smem:$0x3FFC];
	_ =	sdelay $0x3  }
0x94: {  	_ =	strace s3  }
0x95: {  	s3 =	sld [smem:$0x3FFD];
	_ =	sdelay $0x3  }
0x96: {  	_ =	strace s3  }
0x97: {  	_ =	strace $0x8FFFFFFF  }
0x98: {  	s19 =	sld [smem:$0x3FDB];
	_ =	sdelay $0x1  }
0x99: {  	s4 =	simm.s32 $_scs_section_size  }
0x9a: {  	s5 =	simm.s32 $_size__tile_overlayer_lowered;
	s6 =	simm.s32 $_tile_overlayer_lowered  }
0x9b: {  	s22 =	simm.s32 $0x1BFF;
	s21 =	sshll.u32 s6, $0x1;
	s3 =	sadd.s32 s4, s19  }
0x9c: {  	s7 =	simm.s32 $0x0;
	s20 =	sshll.u32 s5, $0x1;
	s5 =	sadd.s32 s21, s3  }
0x9d: {  	[timem:s7], [sflag:s22] =	dma.local [hbm:s5], s20  }
0x9e: {  	_ =	swait.ge [sflag:s22], s20  }
0x9f: {  	s4 =	ssub.s32 $0x0, s20;
	[sflag:s22] =	ssyncset.done $0x0  }
0xa0: {  	[sflag:s22] =	ssyncadd.s32 s4;
	_ =	sdelay $0x1  }
0xa1: {  	s23 =	simm.s32 $0x1B8B  }
0xa2: {  	_ =	swait.ge [sflag:s23], $0x1  }
0xa3: {  	[sflag:s23] =	ssyncset.done $0x0  }
0xa4: {  	s25 =	simm.s32 $0x1B8E;
	s24 =	sld [smem:$0x3FFE];
	[sflag:s23] =	ssyncadd.s32 $0xFFFFFFFF  }
0xa5: {  	s26 =	simm.s32 $execute0_lowered;
	[smem:$0x3FD2] =	sst s25  }
0xa6: {  	s5 =	sshll.u32 s26, $0x1;
	_ =	strace $0x80000046;
	[dreg:$0x1] =	wrdreg $0xFFFFFFFF  }
0xa7: {  	s28 =	simm.s32 $_size_execute0_lowered;
	s3 =	sadd.s32 s3, s5;
	[dreg:$0x0] =	wrdreg $0x0  }
0xa8: {  	s5 =	sshll.u32 s28, $0x1;
	[dreg:$0x2] =	wrdreg s3  }
0xa9: {  	[dreg:$0x3] =	wrdreg s5  }
0xaa: {  	[dreg:$0x4] =	wrdreg $0xC0  }
0xab: {  	_ =	task [dreg:s7], $0x5FFFF  }
0xac: {  	[dreg:$0x1] =	wrdreg $0xFFFFFFFF  }
0xad: {  	[dreg:$0x0] =	wrdreg $0x60  }
0xae: {  	[dreg:$0x2] =	wrdreg s24  }
0xaf: {  	[dreg:$0x3] =	wrdreg s2  }
0xb0: {  	[dreg:$0x4] =	wrdreg $0x9  }
0xb1: {  	_ =	task.clear_ibuf [dreg:s7], $0x5FFFF;
	_ =	strace $0x90000046  }
0xb2: {  	s29 =	simm.s32 $0x9;
	_ =	strace $0x80000048  }
0xb3: {  	_ =	swait.ge [sflag:s29], $0x1  }
0xb4: {  	[sflag:s29] =	ssyncadd.s32 $0xFFFFFFFF  }
0xb5: {  	_ =	strace $0x90000048  }
0xb6: {  	_ =	sfence  }
0xb7: {  	s30 =	sld [smem:$0x0];
	_ =	sdelay $0x2  }
0xb8: {  	s31 =	sshll.u32 s1, $0xD;
	s1 =	sshrl.u32 s1, $0x2  }
0xb9: {  	s3 =	sand.u32 $0x4000, s31;
	s1 =	sadd.s32 s1, s30  }
0xba: {  	s0 =	sor.u32 s3, s0;
	s1 =	sshll.u32 s1, $0x11  }
0xbb: {  	s0 =	sor.u32 s1, s0  }
0xbc: {  	s0 =	sadd.s32 $0x8F2B, s0  }
0xbd: {  	[sflag:s0] =	ssyncadd.remote.s32 $0x1  }
0xbe: {  	_ =	sfence.sel $0xFFFF  }
0xbf: {  	[dreg:$0x0] =	wrdreg $0xFFFFFFFF;
	(pc) =	sbr.abs _section_cstart, $3  }
0xc0: {  	[dreg:$0x1] =	wrdreg $0xFFFFFFFF  }
0xc1: {  	_ =	task.clear_ibuf [dreg:s7], $0x2FFFF;
	_ =	strace $0x9FFFFFFF  }
0xc2: {  	(tm) =	ssettm $0x7FFFFFFF  }
0xc3: {  	_ =	shalt  }
tec
execute0_lowered:
.L_overlay_start_1:
0x0: {  	(tag) =	ssettag $0x1  }
0x1: {  	s3 =	rddreg [dreg:$0x0]  }
0x2: {  	s5 =	rddreg [dreg:$0x1]  }
0x3: {  	s1 =	stileid.u32;
	s2 =	srdreg.scid  }
0x4: {  	s15 =	simm.s32 $0x1;
	s16 =	simm.s32 $0x1800;
	s17 =	simm.s32 $0x2400  }
0x5: {  	s18 =	simm.s32 $0x2800;
	s19 =	simm.s32 $0x2C00;
	s20 =	simm.s32 $0x3000  }
0x6: {  	s21 =	simm.s32 $0x3400;
	s22 =	simm.s32 $0x3800;
	s23 =	simm.s32 $0x3C00  }
0x7: {  	s24 =	simm.s32 $0x4000;
	s25 =	simm.s32 $0x4400;
	s26 =	simm.s32 $0x0  }
0x8: {  	s4 =	sshrl.u32 s1, $0x1;
	s6 =	sand.u32 $0x1, s2;
	s7 =	sshll.u32 s1, $0x1  }
0x9: {  	s2 =	simm.s32 $0x0;
	s4 =	smul.u32 $0x300, s4;
	s7 =	sor.u32 s6, s7  }
0xa: {  	[smem:$0x7FF] =	sst s2;
	s6 =	ssub.s32 $0x2, s6;
	s8 =	smul.u32 $0x180, s7  }
0xb: {  	_ =	strace $0x80000047;
	s9 =	sshrl.u32 s6, $0x1;
	s31 =	sshll.u32 s7, $0x7  }
0xc: {  	s4 =	sadd.s32 s4, s3;
	s14 =	ssub.s32 s6, s9;
	s5 =	sadd.s32 s5, s31  }
0xd: {  	s8 =	sadd.s32 s8, s3;
	s3 =	sadd.s32 $0x1200, s4;
	s6 =	sadd.s32 $0x1000, s5  }
0xe: {  	v0 =	vlaneseq.u32;
	s7 =	sadd.s32 $0x2000, s5;
	s9 =	sadd.s32 $0x4000, s5;
	s10 =	sadd.s32 $0x5000, s5  }
0xf: {  	v0 =	vmul.u32 $0x3, v0;
	s11 =	sadd.s32 $0x6000, s5;
	s12 =	sadd.s32 $0x7000, s5;
	s13 =	sadd.s32 $0x8000, s5  }
0x10: {  	s14 =	smax.u32 s14, $0x1;
	s4 =	sadd.s32 $0x2A00, s8;
	s8 =	sadd.s32 $0x3000, s5  }
.LBB2_1:
0x11: {  	[tilespmem:s2], [sflag:$0x1] =	stream.linear.gather [hbm4b:s3+s2], $0x1800, $0x38;
	[tilespmem:$0x4800] =	vst v63  }
0x12: {  	_ =	swait.ge [sflag:s15], $0x1800  }
0x13: {  	[sflag:s15] =	ssyncset.done $0x0  }
0x14: {  	[sflag:s15] =	ssyncadd.s32 $0xFFFFE800  }
0x15: {  	[tilespmem:s16], [sflag:$0x1] =	stream.linear.gather [hbm4b:s4+s2], $0xC00, $0x38;
	[tilespmem:$0x4800] =	vst v63  }
0x16: {  	_ =	swait.ge [sflag:s15], $0xC00  }
0x17: {  	s28 =	simm.s32 $0x2400;
	[sflag:s15] =	ssyncset.done $0x0  }
0x18: {  	s29 =	simm.s32 $0x0;
	s30 =	simm.s32 $0x0;
	[sflag:s15] =	ssyncadd.s32 $0xFFFFF400  }
.LBB2_2:
0x19: {  	v1 =	vadd.s32 s29, v0;
	_ =	sdelay $0x4  }
0x1a: {  	v1 =	vld.idx.msk [tilespmem:v1+s16+$0x0], $0xffff;
	_ =	sdelay $0x4  }
0x1b: {  	v1 =	vmul.u32 $0x3, v1;
	_ =	sdelay $0x5  }
0x1c: {  	v2 =	vld.idx.msk [tilespmem:v1+s2+$0x0], $0xffff  }
0x1d: {  	v3 =	vadd.s32 $0x1, v1;
	_ =	sdelay $0x3  }
0x1e: {  	[tilespmem:s28+$0x0] =	vst v2  }
0x1f: {  	v2 =	vld.idx.msk [tilespmem:v3+s2+$0x0], $0xffff  }
0x20: {  	v1 =	vadd.s32 $0x2, v1;
	_ =	sdelay $0x2  }
0x21: {  	s31 =	sand.u32 $0x3F0, s30  }
0x22: {  	[tilespmem:s31+$0x2800] =	vst v2  }
0x23: {  	s0 =	sadd.s32 $0x1, s29;
	v1 =	vld.idx.msk [tilespmem:v1+s2+$0x0], $0xffff  }
0x24: {  	v2 =	vadd.s32 s0, v0;
	_ =	sdelay $0x3  }
0x25: {  	[tilespmem:s31+$0x2C00] =	vst v1  }
0x26: {  	v1 =	vld.idx.msk [tilespmem:v2+s16+$0x0], $0xffff;
	_ =	sdelay $0x4  }
0x27: {  	v1 =	vmul.u32 $0x3, v1;
	_ =	sdelay $0x5  }
0x28: {  	v2 =	vld.idx.msk [tilespmem:v1+s2+$0x0], $0xffff  }
0x29: {  	v3 =	vadd.s32 $0x1, v1;
	_ =	sdelay $0x3  }
0x2a: {  	[tilespmem:s31+$0x3000] =	vst v2  }
0x2b: {  	v2 =	vld.idx.msk [tilespmem:v3+s2+$0x0], $0xffff  }
0x2c: {  	v1 =	vadd.s32 $0x2, v1;
	_ =	sdelay $0x3  }
0x2d: {  	[tilespmem:s31+$0x3400] =	vst v2  }
0x2e: {  	s0 =	sadd.s32 $0x2, s29;
	v1 =	vld.idx.msk [tilespmem:v1+s2+$0x0], $0xffff  }
0x2f: {  	v2 =	vadd.s32 s0, v0;
	_ =	sdelay $0x3  }
0x30: {  	[tilespmem:s31+$0x3800] =	vst v1  }
0x31: {  	v1 =	vld.idx.msk [tilespmem:v2+s16+$0x0], $0xffff;
	_ =	sdelay $0x4  }
0x32: {  	v1 =	vmul.u32 $0x3, v1;
	_ =	sdelay $0x5  }
0x33: {  	v2 =	vld.idx.msk [tilespmem:v1+s2+$0x0], $0xffff  }
0x34: {  	v3 =	vadd.s32 $0x1, v1;
	_ =	sdelay $0x3  }
0x35: {  	[tilespmem:s31+$0x3C00] =	vst v2  }
0x36: {  	v2 =	vld.idx.msk [tilespmem:v3+s2+$0x0], $0xffff  }
0x37: {  	v1 =	vadd.s32 $0x2, v1;
	_ =	sdelay $0x3  }
0x38: {  	[tilespmem:s31+$0x4000] =	vst v2  }
0x39: {  	p0 =	sne.s32 s30, $0x3F0;
	v1 =	vld.idx.msk [tilespmem:v1+s2+$0x0], $0xffff  }
.Ltmp0:
0x3a: {  	_ = 	snop;
	(pc) =	sbr.rel @p0 .LBB2_2-.Ltmp0, $2  }
0x3b: {  	_ =	sdelay $0x2  }
0x3c: {  	s30 =	sadd.s32 $0x10, s30;
	s28 =	sadd.s32 $0x10, s28;
	s29 =	sadd.s32 $0x30, s29;
	[tilespmem:s31+$0x4400] =	vst v1  }
0x3d: {  	[hbm4b:s5+s2] =	stream.linear.scatter [tilespmem:s17], [sflag:$0x1], $0x400, $0x38;
	[tilespmem:$0x4800] =	vst v63  }
0x3e: {  	_ =	swait.ge [sflag:s15], $0x400  }
0x3f: {  	[sflag:s15] =	ssyncset.done $0x0  }
0x40: {  	[sflag:s15] =	ssyncadd.s32 $0xFFFFFC00  }
0x41: {  	[hbm4b:s6+s2] =	stream.linear.scatter [tilespmem:s18], [sflag:$0x1], $0x400, $0x38;
	[tilespmem:$0x4800] =	vst v63  }
0x42: {  	_ =	swait.ge [sflag:s15], $0x400  }
0x43: {  	[sflag:s15] =	ssyncset.done $0x0  }
0x44: {  	[sflag:s15] =	ssyncadd.s32 $0xFFFFFC00  }
0x45: {  	[hbm4b:s7+s2] =	stream.linear.scatter [tilespmem:s19], [sflag:$0x1], $0x400, $0x38;
	[tilespmem:$0x4800] =	vst v63  }
0x46: {  	_ =	swait.ge [sflag:s15], $0x400  }
0x47: {  	[sflag:s15] =	ssyncset.done $0x0  }
0x48: {  	[sflag:s15] =	ssyncadd.s32 $0xFFFFFC00  }
0x49: {  	[hbm4b:s8+s2] =	stream.linear.scatter [tilespmem:s20], [sflag:$0x1], $0x400, $0x38;
	[tilespmem:$0x4800] =	vst v63  }
0x4a: {  	_ =	swait.ge [sflag:s15], $0x400  }
0x4b: {  	[sflag:s15] =	ssyncset.done $0x0  }
0x4c: {  	[sflag:s15] =	ssyncadd.s32 $0xFFFFFC00  }
0x4d: {  	[hbm4b:s9+s2] =	stream.linear.scatter [tilespmem:s21], [sflag:$0x1], $0x400, $0x38;
	[tilespmem:$0x4800] =	vst v63  }
0x4e: {  	_ =	swait.ge [sflag:s15], $0x400  }
0x4f: {  	[sflag:s15] =	ssyncset.done $0x0  }
0x50: {  	[sflag:s15] =	ssyncadd.s32 $0xFFFFFC00  }
0x51: {  	[hbm4b:s10+s2] =	stream.linear.scatter [tilespmem:s22], [sflag:$0x1], $0x400, $0x38;
	[tilespmem:$0x4800] =	vst v63  }
0x52: {  	_ =	swait.ge [sflag:s15], $0x400  }
0x53: {  	[sflag:s15] =	ssyncset.done $0x0  }
0x54: {  	[sflag:s15] =	ssyncadd.s32 $0xFFFFFC00  }
0x55: {  	[hbm4b:s11+s2] =	stream.linear.scatter [tilespmem:s23], [sflag:$0x1], $0x400, $0x38;
	[tilespmem:$0x4800] =	vst v63  }
0x56: {  	_ =	swait.ge [sflag:s15], $0x400  }
0x57: {  	[sflag:s15] =	ssyncset.done $0x0  }
0x58: {  	[sflag:s15] =	ssyncadd.s32 $0xFFFFFC00  }
0x59: {  	[hbm4b:s12+s2] =	stream.linear.scatter [tilespmem:s24], [sflag:$0x1], $0x400, $0x38;
	[tilespmem:$0x4800] =	vst v63  }
0x5a: {  	s26 =	sadd.s32 $0x1, s26;
	_ =	swait.ge [sflag:s15], $0x400  }
0x5b: {  	p0 =	sne.s32 s26, s14;
	[sflag:s15] =	ssyncset.done $0x0  }
.Ltmp1:
0x5c: {  	[sflag:s15] =	ssyncadd.s32 $0xFFFFFC00;
	(pc) =	sbr.rel @p0 .LBB2_1-.Ltmp1, $4  }
0x5d: {  	[hbm4b:s13+s2] =	stream.linear.scatter [tilespmem:s25], [sflag:$0x1], $0x400, $0x38;
	[tilespmem:$0x4800] =	vst v63  }
0x5e: {  	_ =	swait.ge [sflag:s15], $0x400  }
0x5f: {  	[sflag:s15] =	ssyncset.done $0x0  }
0x60: {  	[sflag:s15] =	ssyncadd.s32 $0xFFFFFC00  }
0x61: {  	_ =	sfence.sel $0x180000  }
0x62: {  	[bflag:$0x0] =	sbarrier.arrive $0xFFFF  }
0x63: {  	_ =	strace $0x90000047  }
0x64: {  	[bflag:$0x2] =	sbarrier.arrive $0xFFFF  }
0x65: {  	p0 =	sne.s32 s1, $0x0;
	s0 =	rddreg [dreg:$0x2]  }
0x66: {  	s0 =	sadd.s32 @!p0 $0x100000, s0  }
0x67: {  	[sflag:s0] =	ssyncadd.tile.s32 @!p0 $0x1;
	_ =	shalt  }
.Lfunc_end2:
_tile_overlayer_lowered:
.L_overlay_start_2:
0x68: {  	(tag) =	ssettag $0x2  }
0x69: {  	s0 =	rddreg [dreg:$0x0];
	s2 =	stileid.u32  }
0x6a: {  	s1 =	rddreg [dreg:$0x1];
	p0 =	sne.s32 s2, $0x0  }
0x6b: {  	s3 =	rddreg [dreg:$0x2];
	[bflag:$0x3] =	sbarrier.arrive $0xFFFF;
	s2 =	simm.s32 @!p0 $0x1C01  }
0x6c: {  	[timem:s3], [sflag:s2] =	dma.local @!p0 [hbm:s0], s1  }
0x6d: {  	s0 =	simm.s32 @!p0 $0x1  }
0x6e: {  	_ =	swait.ge @!p0 [sflag:s0], s1  }
0x6f: {  	s1 =	ssub.s32 @!p0 $0x0, s1;
	[sflag:s0] =	ssyncset.done @!p0 $0x0  }
0x70: {  	[sflag:s0] =	ssyncadd.s32 @!p0 s1  }
0x71: {  	[bflag:$0x3] =	sbarrier.arrive $0xFFFF  }
0x72: {  	_ =	shalt  }

</sc_bundles>
